<compile_context>
chip_gen: v7x
topology: tpu7x:2x2x1
jax: 0.10.2.dev20260603
libtpu: 0.0.44.dev20260713+nightly
codegen_flags: <defaults>
</compile_context>

<pallas_src>
import functools

import jax
import jax.numpy as jnp
from jax import lax
from jax.experimental import pallas as pl
from jax.experimental.pallas import tpu as pltpu
from jax.experimental.pallas import tpu_sc as plsc

N = 10000
E = 320000
D = 128
G = 64
NC = 2
NS = 16
NW = NC * NS

CH = 128
NCH = 80
NPAIR = NCH // 2
EPW = NCH * CH
EPAD = NW * EPW
ECH = 81
EEPW = ECH * CH
NTRI = ECH // 3 - 1
NP = 10112

RPT = 624
RTAIL = N - NS * RPT
RTOFF = NS * RPT

BLK = 2000
NB = N // BLK

_mesh = plsc.VectorSubcoreMesh(core_axis_name="c", subcore_axis_name="s")



def _wait_rows(sem, g_hbm, rows):
    pltpu.make_async_copy(g_hbm.at[pl.ds(0, CH)], rows, sem).wait()


@functools.partial(
    pl.kernel,
    out_type=jax.ShapeDtypeStruct((NC, N, D), jnp.float32),
    mesh=_mesh,
    scratch_types=[
        pltpu.VMEM((NCH, CH), jnp.int32),
        pltpu.VMEM((CH, D), jnp.float32),
        pltpu.VMEM_SHARED((NP, D), jnp.float32),
        pltpu.SemaphoreType.DMA,
        pltpu.SemaphoreType.DMA,
    ],
)
def _deg_pass(dst2_hbm, zD_hbm, ones_hbm, out_hbm,
              dstb_v, ones_v, acc_sh, sem_a, sem_b):
    c = lax.axis_index("c")
    s = lax.axis_index("s")
    w = c * NS + s
    rbase = s * RPT
    pltpu.sync_copy(zD_hbm.at[pl.ds(rbase, RPT)], acc_sh.at[pl.ds(rbase, RPT)])

    @pl.when(s == NS - 1)
    def _():
        pltpu.sync_copy(zD_hbm.at[pl.ds(RTOFF, RTAIL)],
                        acc_sh.at[pl.ds(RTOFF, RTAIL)])

    pltpu.sync_copy(ones_hbm, ones_v)
    pltpu.sync_copy(dst2_hbm.at[pl.ds(w * NCH, NCH)], dstb_v)
    plsc.subcore_barrier()

    def body(j, carry):
        @pl.when(j > 0)
        def _():
            _wait_rows(sem_a, zD_hbm, ones_v)
        pltpu.async_copy(ones_v, acc_sh.at[dstb_v.at[2 * j]], sem_a, add=True)

        @pl.when(j > 0)
        def _():
            _wait_rows(sem_b, zD_hbm, ones_v)
        pltpu.async_copy(ones_v, acc_sh.at[dstb_v.at[2 * j + 1]], sem_b,
                         add=True)
        return carry

    lax.fori_loop(0, NPAIR, body, 0)
    _wait_rows(sem_a, zD_hbm, ones_v)
    _wait_rows(sem_b, zD_hbm, ones_v)
    plsc.subcore_barrier()
    pltpu.sync_copy(acc_sh.at[pl.ds(rbase, RPT)], out_hbm.at[c, pl.ds(rbase, RPT)])

    @pl.when(s == NS - 1)
    def _():
        pltpu.sync_copy(acc_sh.at[pl.ds(RTOFF, RTAIL)],
                        out_hbm.at[c, pl.ds(RTOFF, RTAIL)])


@functools.partial(
    pl.kernel,
    out_type=jax.ShapeDtypeStruct((NC, N, D), jnp.float32),
    mesh=_mesh,
    scratch_types=[
        [pltpu.VMEM((CH,), jnp.int32)] * 3,
        [pltpu.VMEM((CH,), jnp.int32)] * 3,
        [pltpu.VMEM((CH, D), jnp.float32)] * 3,
        pltpu.VMEM_SHARED((NP, D), jnp.float32),
        [pltpu.SemaphoreType.DMA] * 3,
        [pltpu.SemaphoreType.DMA] * 3,
        [pltpu.SemaphoreType.DMA] * 3,
        [pltpu.SemaphoreType.DMA] * 3,
    ],
)
def _edge_pass(g_hbm, src_hbm, dst_hbm, zD_hbm, out_hbm,
               srcv, dstv, rows, acc_sh, isem, dsem, gsem, ssem):
    c = lax.axis_index("c")
    s = lax.axis_index("s")
    w = c * NS + s
    rbase = s * RPT
    ebase = w * EEPW
    pltpu.sync_copy(zD_hbm.at[pl.ds(rbase, RPT)], acc_sh.at[pl.ds(rbase, RPT)])

    @pl.when(s == NS - 1)
    def _():
        pltpu.sync_copy(zD_hbm.at[pl.ds(RTOFF, RTAIL)],
                        acc_sh.at[pl.ds(RTOFF, RTAIL)])

    plsc.subcore_barrier()

    def srcidx(chunk, b):
        pltpu.async_copy(src_hbm.at[pl.ds(ebase + chunk * CH, CH)], srcv[b],
                         isem[b])

    def dstidx(chunk, b):
        pltpu.async_copy(dst_hbm.at[pl.ds(ebase + chunk * CH, CH)], dstv[b],
                         dsem[b])

    def wait_idx(sem, v):
        pltpu.make_async_copy(src_hbm.at[pl.ds(0, CH)], v, sem).wait()

    def gather(chunk_b, b):
        wait_idx(isem[b], srcv[b])
        pltpu.async_copy(g_hbm.at[srcv[b]], rows[b], gsem[b])

    def scatter(b):
        _wait_rows(gsem[b], g_hbm, rows[b])
        wait_idx(dsem[b], dstv[b])
        pltpu.async_copy(rows[b], acc_sh.at[dstv[b]], ssem[b], add=True)

    srcidx(0, 0)
    srcidx(1, 1)
    srcidx(2, 2)
    dstidx(0, 0)
    gather(0, 0)
    dstidx(1, 1)
    gather(1, 1)
    dstidx(2, 2)
    gather(2, 2)
    scatter(0)
    srcidx(3, 0)

    def body(j, carry):
        k = 3 * j + 3

        def step(off, b, b2, last):
            kk = k + off
            _wait_rows(ssem[b], g_hbm, rows[b])
            dstidx(kk, b)
            gather(kk, b)
            scatter(b2)
            if last:
                @pl.when(j < NTRI - 1)
                def _():
                    srcidx(kk + 1, b2)
            else:
                srcidx(kk + 1, b2)

        step(0, 0, 1, False)
        step(1, 1, 2, False)
        step(2, 2, 0, True)
        return carry

    lax.fori_loop(0, NTRI, body, 0)
    scatter(1)
    scatter(2)
    _wait_rows(ssem[0], g_hbm, rows[0])
    _wait_rows(ssem[1], g_hbm, rows[1])
    _wait_rows(ssem[2], g_hbm, rows[2])
    plsc.subcore_barrier()
    pltpu.sync_copy(acc_sh.at[pl.ds(rbase, RPT)], out_hbm.at[c, pl.ds(rbase, RPT)])

    @pl.when(s == NS - 1)
    def _():
        pltpu.sync_copy(acc_sh.at[pl.ds(RTOFF, RTAIL)],
                        out_hbm.at[c, pl.ds(RTOFF, RTAIL)])



def _dis_from(degp_ref):
    deg = degp_ref[0, :, 0:1] + degp_ref[1, :, 0:1] + 1.0
    return lax.rsqrt(deg)


def _h1_body(x_ref, w_ref, o_ref):
    o_ref[...] = lax.dot_general(x_ref[...], w_ref[...],
                                 (((1,), (1,)), ((), ())),
                                 preferred_element_type=jnp.float32,
                                 precision=lax.Precision.HIGHEST)


def _scale_body(h_ref, degp_ref, o_ref):
    o_ref[...] = h_ref[...] * _dis_from(degp_ref)


def _g2_body(p_ref, g1_ref, degp_ref, w_ref, o_ref):
    dis = _dis_from(degp_ref)
    tot = (p_ref[0] + p_ref[1] + g1_ref[...]) * dis
    u = jnp.where(tot >= 0, tot, 0.01 * tot)
    h = lax.dot_general(u, w_ref[...], (((1,), (1,)), ((), ())),
                        preferred_element_type=jnp.float32,
                        precision=lax.Precision.HIGHEST)
    o_ref[...] = h * dis


def _pool_body(p_ref, g2_ref, degp_ref, b_ref, o_ref):
    i = pl.program_id(0)
    dis = _dis_from(degp_ref)
    h2 = (p_ref[0] + p_ref[1] + g2_ref[...]) * dis
    b = b_ref[0, 0, :]
    gids = lax.broadcasted_iota(jnp.int32, (G, BLK), 0)
    sel = (b[None, :] == gids).astype(jnp.float32)
    contrib = lax.dot_general(sel, h2, (((1,), (0,)), ((), ())),
                              preferred_element_type=jnp.float32,
                              precision=lax.Precision.HIGHEST)

    @pl.when(i == 0)
    def _():
        o_ref[...] = contrib

    @pl.when(i > 0)
    def _():
        o_ref[...] += contrib


_h1_call = pl.pallas_call(
    _h1_body,
    grid=(NB,),
    in_specs=[
        pl.BlockSpec((BLK, D), lambda i: (i, 0)),
        pl.BlockSpec((D, D), lambda i: (0, 0)),
    ],
    out_specs=pl.BlockSpec((BLK, D), lambda i: (i, 0)),
    out_shape=jax.ShapeDtypeStruct((N, D), jnp.float32),
)

_scale_call = pl.pallas_call(
    _scale_body,
    grid=(NB,),
    in_specs=[
        pl.BlockSpec((BLK, D), lambda i: (i, 0)),
        pl.BlockSpec((NC, BLK, 16), lambda i: (0, i, 0)),
    ],
    out_specs=pl.BlockSpec((BLK, D), lambda i: (i, 0)),
    out_shape=jax.ShapeDtypeStruct((N, D), jnp.float32),
)

_g2_call = pl.pallas_call(
    _g2_body,
    grid=(NB,),
    in_specs=[
        pl.BlockSpec((NC, BLK, D), lambda i: (0, i, 0)),
        pl.BlockSpec((BLK, D), lambda i: (i, 0)),
        pl.BlockSpec((NC, BLK, 16), lambda i: (0, i, 0)),
        pl.BlockSpec((D, D), lambda i: (0, 0)),
    ],
    out_specs=pl.BlockSpec((BLK, D), lambda i: (i, 0)),
    out_shape=jax.ShapeDtypeStruct((N, D), jnp.float32),
)

_pool_call = pl.pallas_call(
    _pool_body,
    grid=(NB,),
    in_specs=[
        pl.BlockSpec((NC, BLK, D), lambda i: (0, i, 0)),
        pl.BlockSpec((BLK, D), lambda i: (i, 0)),
        pl.BlockSpec((NC, BLK, 16), lambda i: (0, i, 0)),
        pl.BlockSpec((1, 1, BLK), lambda i: (i, 0, 0)),
    ],
    out_specs=pl.BlockSpec((G, D), lambda i: (0, 0)),
    out_shape=jax.ShapeDtypeStruct((G, D), jnp.float32),
)


def kernel(x, edge_index, batch, W1, W2):
    src = edge_index[0]
    dst = edge_index[1]
    def pad_edges(arr, per_worker, pad_vals):
        blocks = arr.reshape(NW, E // NW)
        padb = jnp.broadcast_to(pad_vals[None], (NW, per_worker))
        return jnp.concatenate([blocks, padb], axis=1).reshape(-1)

    dpw = EPW - E // NW
    epw = EEPW - E // NW
    spare = lambda n: N + jnp.arange(n, dtype=jnp.int32) % (NP - N)
    dst2 = pad_edges(dst, dpw, spare(dpw)).reshape(NW * NCH, CH)
    src_e = pad_edges(src, epw, jnp.arange(epw, dtype=jnp.int32))
    dst_e = pad_edges(dst, epw, spare(epw))

    onesD = jnp.ones((CH, D), jnp.float32)
    zD = jnp.zeros((N, D), jnp.float32)
    batch3 = batch.reshape(NB, 1, BLK)

    h1 = _h1_call(x, W1)
    degp_w = _deg_pass(dst2, zD, onesD)
    degp = lax.slice(degp_w, (0, 0, 0), (NC, N, 16))
    g1 = _scale_call(h1, degp)
    p1 = _edge_pass(g1, src_e, dst_e, zD)
    g2 = _g2_call(p1, g1, degp, W2)
    p2 = _edge_pass(g2, src_e, dst_e, zD)
    return _pool_call(p2, g2, degp, batch3)

# --- scband reference (transcript-rebuilt; emitter-appended) ---
"""Pipeline reference for scband-gcn-30657476559416 (READ-ONLY COPY).

The authoritative reference and input builder live on the scoring server;
editing this copy changes nothing except your own understanding.
"""

import jax, jax.numpy as jnp
import numpy as np

N_NODES = 10000
N_EDGES = 320000
DIM = 128
NUM_GRAPHS = 64


def setup_inputs(seed: int = 0) -> dict:
    key = jax.random.key(seed)
    k1, k2, k3, k4, k5 = jax.random.split(key, 5)
    x = jax.random.normal(k1, (N_NODES, DIM), dtype=jnp.float32)
    edge_index = jax.random.randint(k2, (2, N_EDGES), 0, N_NODES, dtype=jnp.int32)
    batch = jnp.sort(jax.random.randint(k3, (N_NODES,), 0, NUM_GRAPHS, dtype=jnp.int32))
    scale = float(np.sqrt(6.0 / (DIM + DIM)))
    W1 = jax.random.uniform(k4, (DIM, DIM), dtype=jnp.float32, minval=-scale, maxval=scale)
    W2 = jax.random.uniform(k5, (DIM, DIM), dtype=jnp.float32, minval=-scale, maxval=scale)
    return {"x": x, "edge_index": edge_index, "batch": batch, "W1": W1, "W2": W2}


def _gcn_conv(x, W, src, dst):
    # GCNConv (bias=False): x @ W.T, add self loops, symmetric normalization, scatter-add at dst
    n = x.shape[0]
    h = x @ W.T
    loop = jnp.arange(n, dtype=src.dtype)
    s = jnp.concatenate([src, loop])
    d = jnp.concatenate([dst, loop])
    deg = jnp.zeros((n,), dtype=h.dtype).at[d].add(1.0)
    dis = jnp.where(deg > 0, jax.lax.rsqrt(deg), 0.0)
    norm = dis[s] * dis[d]
    msg = h[s] * norm[:, None]
    out = jnp.zeros_like(h).at[d].add(msg)
    return out


def reference(x, edge_index, batch, W1, W2):
    src = edge_index[0]
    dst = edge_index[1]
    h = _gcn_conv(x, W1, src, dst)
    h = jax.nn.leaky_relu(h, negative_slope=0.01)
    h = _gcn_conv(h, W2, src, dst)
    graph_emb = jax.ops.segment_sum(h, batch, num_segments=NUM_GRAPHS)
    return graph_emb

if __name__ == "__main__":
    import jax
    _d = setup_inputs()
    print(jax.jit(kernel)(*tuple(_d.values())))

</pallas_src>

<mosaic_0001>
#map = affine_map<(d0, d1) -> (0, 0)>
#map1 = affine_map<(d0, d1) -> (0)>
#map2 = affine_map<(d0, d1) -> (0, 0, 0)>
module attributes {stable_mosaic.version = 14 : i64} {
  func.func @_edge_pass(%arg0: i32, %arg1: i32, %arg2: memref<10000x128xf32, #tpu.memory_space<hbm>>, %arg3: memref<331776xi32, #tpu.memory_space<hbm>>, %arg4: memref<331776xi32, #tpu.memory_space<hbm>>, %arg5: memref<10000x128xf32, #tpu.memory_space<hbm>>, %arg6: memref<2x10000x128xf32, #tpu.memory_space<hbm>>, %arg7: memref<128xi32, #tpu.memory_space<vmem>>, %arg8: memref<128xi32, #tpu.memory_space<vmem>>, %arg9: memref<128xi32, #tpu.memory_space<vmem>>, %arg10: memref<128xi32, #tpu.memory_space<vmem>>, %arg11: memref<128xi32, #tpu.memory_space<vmem>>, %arg12: memref<128xi32, #tpu.memory_space<vmem>>, %arg13: memref<128x128xf32, #tpu.memory_space<vmem>>, %arg14: memref<128x128xf32, #tpu.memory_space<vmem>>, %arg15: memref<128x128xf32, #tpu.memory_space<vmem>>, %arg16: memref<10112x128xf32, #tpu.memory_space<vmem_shared>>, %arg17: memref<!tpu.dma_semaphore, #tpu.memory_space<semaphore_mem>>, %arg18: memref<!tpu.dma_semaphore, #tpu.memory_space<semaphore_mem>>, %arg19: memref<!tpu.dma_semaphore, #tpu.memory_space<semaphore_mem>>, %arg20: memref<!tpu.dma_semaphore, #tpu.memory_space<semaphore_mem>>, %arg21: memref<!tpu.dma_semaphore, #tpu.memory_space<semaphore_mem>>, %arg22: memref<!tpu.dma_semaphore, #tpu.memory_space<semaphore_mem>>, %arg23: memref<!tpu.dma_semaphore, #tpu.memory_space<semaphore_mem>>, %arg24: memref<!tpu.dma_semaphore, #tpu.memory_space<semaphore_mem>>, %arg25: memref<!tpu.dma_semaphore, #tpu.memory_space<semaphore_mem>>, %arg26: memref<!tpu.dma_semaphore, #tpu.memory_space<semaphore_mem>>, %arg27: memref<!tpu.dma_semaphore, #tpu.memory_space<semaphore_mem>>, %arg28: memref<!tpu.dma_semaphore, #tpu.memory_space<semaphore_mem>>) attributes {dimension_semantics = [#tpu.dimension_semantics<core_parallel>, #tpu.dimension_semantics<subcore_parallel>], iteration_bounds = array<i64: 2, 16>, scalar_prefetch = 0 : i64, scratch_operands = 22 : i64, tpu.core_type = #tpu.core_type<sc_vector_subcore>, window_params = [{transform_indices = #map}, {transform_indices = #map1}, {transform_indices = #map1}, {transform_indices = #map}, {transform_indices = #map2}]} {
    %mul3A = arith.constant 16 : i32
    %mul3A_0 = arith.muli %arg0, %mul3A : i32
    %add3A = arith.addi %mul3A_0, %arg1 : i32
    %mul3A_1 = arith.constant 624 : i32
    %mul3A_2 = arith.muli %arg1, %mul3A_1 : i32
    %mul3A_3 = arith.constant 10368 : i32
    %mul3A_4 = arith.muli %add3A, %mul3A_3 : i32
    "tpu.region"() ({
      %run_scoped3A = tpu.sem_alloc : memref<!tpu.dma_semaphore, #tpu.memory_space<semaphore_mem>>
      %dma_start3A_122 = arith.constant 0 : i32
      %dma_start3A_123 = tpu.memref_slice %arg16[%mul3A_2, %dma_start3A_122] : memref<10112x128xf32, #tpu.memory_space<vmem_shared>> -> memref<624x128xf32, #tpu.memory_space<vmem_shared>>
      %dma_start3A_124 = arith.constant 0 : i32
      %dma_start3A_125 = tpu.memref_slice %arg5[%mul3A_2, %dma_start3A_124] : memref<10000x128xf32, #tpu.memory_space<hbm>> -> memref<624x128xf32, #tpu.memory_space<hbm>>
      tpu.enqueue_dma source(%dma_start3A_125 : memref<624x128xf32, #tpu.memory_space<hbm>>) target(%dma_start3A_123 : memref<624x128xf32, #tpu.memory_space<vmem_shared>>) target_semaphore(%run_scoped3A : memref<!tpu.dma_semaphore, #tpu.memory_space<semaphore_mem>>)
      %dma_wait3A_126 = arith.constant 0 : i32
      %dma_wait3A_127 = tpu.memref_slice %arg16[%mul3A_2, %dma_wait3A_126] : memref<10112x128xf32, #tpu.memory_space<vmem_shared>> -> memref<624x128xf32, #tpu.memory_space<vmem_shared>>
      %dma_wait3A_128 = arith.constant 0 : i32
      %dma_wait3A_129 = tpu.memref_slice %arg5[%mul3A_2, %dma_wait3A_128] : memref<10000x128xf32, #tpu.memory_space<hbm>> -> memref<624x128xf32, #tpu.memory_space<hbm>>
      tpu.wait_dma2 semaphore(%run_scoped3A : memref<!tpu.dma_semaphore, #tpu.memory_space<semaphore_mem>>) src(%dma_wait3A_129 : memref<624x128xf32, #tpu.memory_space<hbm>>) dst(%dma_wait3A_127 : memref<624x128xf32, #tpu.memory_space<vmem_shared>>)
      tpu.yield
    }) : () -> ()
    %eq3A = arith.constant 15 : i32
    %eq3A_5 = arith.cmpi eq, %arg1, %eq3A : i32
    %convert_element_type3A = arith.extui %eq3A_5 : i1 to i32
    %cond3A = arith.constant 0 : i32
    %cond3A_6 = arith.cmpi ne, %convert_element_type3A, %cond3A : i32
    scf.if %cond3A_6 {
      "tpu.region"() ({
        %run_scoped3A = tpu.sem_alloc : memref<!tpu.dma_semaphore, #tpu.memory_space<semaphore_mem>>
        %dma_start3A_122 = arith.constant 9984 : i32
        %dma_start3A_123 = arith.constant 0 : i32
        %dma_start3A_124 = tpu.memref_slice %arg16[%dma_start3A_122, %dma_start3A_123] : memref<10112x128xf32, #tpu.memory_space<vmem_shared>> -> memref<16x128xf32, #tpu.memory_space<vmem_shared>>
        %dma_start3A_125 = arith.constant 9984 : i32
        %dma_start3A_126 = arith.constant 0 : i32
        %dma_start3A_127 = tpu.memref_slice %arg5[%dma_start3A_125, %dma_start3A_126] : memref<10000x128xf32, #tpu.memory_space<hbm>> -> memref<16x128xf32, #tpu.memory_space<hbm>>
        tpu.enqueue_dma source(%dma_start3A_127 : memref<16x128xf32, #tpu.memory_space<hbm>>) target(%dma_start3A_124 : memref<16x128xf32, #tpu.memory_space<vmem_shared>>) target_semaphore(%run_scoped3A : memref<!tpu.dma_semaphore, #tpu.memory_space<semaphore_mem>>)
        %dma_wait3A_128 = arith.constant 9984 : i32
        %dma_wait3A_129 = arith.constant 0 : i32
        %dma_wait3A_130 = tpu.memref_slice %arg16[%dma_wait3A_128, %dma_wait3A_129] : memref<10112x128xf32, #tpu.memory_space<vmem_shared>> -> memref<16x128xf32, #tpu.memory_space<vmem_shared>>
        %dma_wait3A_131 = arith.constant 9984 : i32
        %dma_wait3A_132 = arith.constant 0 : i32
        %dma_wait3A_133 = tpu.memref_slice %arg5[%dma_wait3A_131, %dma_wait3A_132] : memref<10000x128xf32, #tpu.memory_space<hbm>> -> memref<16x128xf32, #tpu.memory_space<hbm>>
        tpu.wait_dma2 semaphore(%run_scoped3A : memref<!tpu.dma_semaphore, #tpu.memory_space<semaphore_mem>>) src(%dma_wait3A_133 : memref<16x128xf32, #tpu.memory_space<hbm>>) dst(%dma_wait3A_130 : memref<16x128xf32, #tpu.memory_space<vmem_shared>>)
        tpu.yield
      }) : () -> ()
    } else {
    }
    %barrier3A = arith.constant 0 : index
    tpu.barrier barrier_id(%barrier3A)
    %add3A_7 = arith.constant 0 : i32
    %add3A_8 = arith.addi %mul3A_4, %add3A_7 : i32
    %dma_start3A = tpu.memref_slice %arg3[%add3A_8] : memref<331776xi32, #tpu.memory_space<hbm>> -> memref<128xi32, #tpu.memory_space<hbm>>
    %dma_start3A_9 = tpu.memref_slice %arg3[%add3A_8] : memref<331776xi32, #tpu.memory_space<hbm>> -> memref<128xi32, #tpu.memory_space<hbm>>
    tpu.enqueue_dma source(%dma_start3A_9 : memref<128xi32, #tpu.memory_space<hbm>>) target(%arg7 : memref<128xi32, #tpu.memory_space<vmem>>) target_semaphore(%arg17 : memref<!tpu.dma_semaphore, #tpu.memory_space<semaphore_mem>>)
    %add3A_10 = arith.constant 128 : i32
    %add3A_11 = arith.addi %mul3A_4, %add3A_10 : i32
    %dma_start3A_12 = tpu.memref_slice %arg3[%add3A_11] : memref<331776xi32, #tpu.memory_space<hbm>> -> memref<128xi32, #tpu.memory_space<hbm>>
    %dma_start3A_13 = tpu.memref_slice %arg3[%add3A_11] : memref<331776xi32, #tpu.memory_space<hbm>> -> memref<128xi32, #tpu.memory_space<hbm>>
    tpu.enqueue_dma source(%dma_start3A_13 : memref<128xi32, #tpu.memory_space<hbm>>) target(%arg8 : memref<128xi32, #tpu.memory_space<vmem>>) target_semaphore(%arg18 : memref<!tpu.dma_semaphore, #tpu.memory_space<semaphore_mem>>)
    %add3A_14 = arith.constant 256 : i32
    %add3A_15 = arith.addi %mul3A_4, %add3A_14 : i32
    %dma_start3A_16 = tpu.memref_slice %arg3[%add3A_15] : memref<331776xi32, #tpu.memory_space<hbm>> -> memref<128xi32, #tpu.memory_space<hbm>>
    %dma_start3A_17 = tpu.memref_slice %arg3[%add3A_15] : memref<331776xi32, #tpu.memory_space<hbm>> -> memref<128xi32, #tpu.memory_space<hbm>>
    tpu.enqueue_dma source(%dma_start3A_17 : memref<128xi32, #tpu.memory_space<hbm>>) target(%arg9 : memref<128xi32, #tpu.memory_space<vmem>>) target_semaphore(%arg19 : memref<!tpu.dma_semaphore, #tpu.memory_space<semaphore_mem>>)
    %add3A_18 = arith.constant 0 : i32
    %add3A_19 = arith.addi %mul3A_4, %add3A_18 : i32
    %dma_start3A_20 = tpu.memref_slice %arg4[%add3A_19] : memref<331776xi32, #tpu.memory_space<hbm>> -> memref<128xi32, #tpu.memory_space<hbm>>
    %dma_start3A_21 = tpu.memref_slice %arg4[%add3A_19] : memref<331776xi32, #tpu.memory_space<hbm>> -> memref<128xi32, #tpu.memory_space<hbm>>
    tpu.enqueue_dma source(%dma_start3A_21 : memref<128xi32, #tpu.memory_space<hbm>>) target(%arg10 : memref<128xi32, #tpu.memory_space<vmem>>) target_semaphore(%arg20 : memref<!tpu.dma_semaphore, #tpu.memory_space<semaphore_mem>>)
    %dma_wait3A = arith.constant 0 : i32
    %dma_wait3A_22 = tpu.memref_slice %arg3[%dma_wait3A] : memref<331776xi32, #tpu.memory_space<hbm>> -> memref<128xi32, #tpu.memory_space<hbm>>
    %dma_wait3A_23 = arith.constant 0 : i32
    %dma_wait3A_24 = tpu.memref_slice %arg3[%dma_wait3A_23] : memref<331776xi32, #tpu.memory_space<hbm>> -> memref<128xi32, #tpu.memory_space<hbm>>
    tpu.wait_dma2 semaphore(%arg17 : memref<!tpu.dma_semaphore, #tpu.memory_space<semaphore_mem>>) src(%dma_wait3A_24 : memref<128xi32, #tpu.memory_space<hbm>>) dst(%arg7 : memref<128xi32, #tpu.memory_space<vmem>>)
    %dma_start3A_25 = arith.constant 0 : i32
    %dma_start3A_26 = arith.constant 0 : i32
    %dma_start3A_27 = tpu.memref_slice %arg2[%dma_start3A_25, %dma_start3A_26] : memref<10000x128xf32, #tpu.memory_space<hbm>> -> memref<10000x128xf32, #tpu.memory_space<hbm>>
    tpu.enqueue_indirect_dma source(%dma_start3A_27 : memref<10000x128xf32, #tpu.memory_space<hbm>>) target(%arg13 : memref<128x128xf32, #tpu.memory_space<vmem>>) offsets(%arg7 : memref<128xi32, #tpu.memory_space<vmem>>) semaphore(%arg23 : memref<!tpu.dma_semaphore, #tpu.memory_space<semaphore_mem>>)
    %add3A_28 = arith.constant 128 : i32
    %add3A_29 = arith.addi %mul3A_4, %add3A_28 : i32
    %dma_start3A_30 = tpu.memref_slice %arg4[%add3A_29] : memref<331776xi32, #tpu.memory_space<hbm>> -> memref<128xi32, #tpu.memory_space<hbm>>
    %dma_start3A_31 = tpu.memref_slice %arg4[%add3A_29] : memref<331776xi32, #tpu.memory_space<hbm>> -> memref<128xi32, #tpu.memory_space<hbm>>
    tpu.enqueue_dma source(%dma_start3A_31 : memref<128xi32, #tpu.memory_space<hbm>>) target(%arg11 : memref<128xi32, #tpu.memory_space<vmem>>) target_semaphore(%arg21 : memref<!tpu.dma_semaphore, #tpu.memory_space<semaphore_mem>>)
    %dma_wait3A_32 = arith.constant 0 : i32
    %dma_wait3A_33 = tpu.memref_slice %arg3[%dma_wait3A_32] : memref<331776xi32, #tpu.memory_space<hbm>> -> memref<128xi32, #tpu.memory_space<hbm>>
    %dma_wait3A_34 = arith.constant 0 : i32
    %dma_wait3A_35 = tpu.memref_slice %arg3[%dma_wait3A_34] : memref<331776xi32, #tpu.memory_space<hbm>> -> memref<128xi32, #tpu.memory_space<hbm>>
    tpu.wait_dma2 semaphore(%arg18 : memref<!tpu.dma_semaphore, #tpu.memory_space<semaphore_mem>>) src(%dma_wait3A_35 : memref<128xi32, #tpu.memory_space<hbm>>) dst(%arg8 : memref<128xi32, #tpu.memory_space<vmem>>)
    %dma_start3A_36 = arith.constant 0 : i32
    %dma_start3A_37 = arith.constant 0 : i32
    %dma_start3A_38 = tpu.memref_slice %arg2[%dma_start3A_36, %dma_start3A_37] : memref<10000x128xf32, #tpu.memory_space<hbm>> -> memref<10000x128xf32, #tpu.memory_space<hbm>>
    tpu.enqueue_indirect_dma source(%dma_start3A_38 : memref<10000x128xf32, #tpu.memory_space<hbm>>) target(%arg14 : memref<128x128xf32, #tpu.memory_space<vmem>>) offsets(%arg8 : memref<128xi32, #tpu.memory_space<vmem>>) semaphore(%arg24 : memref<!tpu.dma_semaphore, #tpu.memory_space<semaphore_mem>>)
    %add3A_39 = arith.constant 256 : i32
    %add3A_40 = arith.addi %mul3A_4, %add3A_39 : i32
    %dma_start3A_41 = tpu.memref_slice %arg4[%add3A_40] : memref<331776xi32, #tpu.memory_space<hbm>> -> memref<128xi32, #tpu.memory_space<hbm>>
    %dma_start3A_42 = tpu.memref_slice %arg4[%add3A_40] : memref<331776xi32, #tpu.memory_space<hbm>> -> memref<128xi32, #tpu.memory_space<hbm>>
    tpu.enqueue_dma source(%dma_start3A_42 : memref<128xi32, #tpu.memory_space<hbm>>) target(%arg12 : memref<128xi32, #tpu.memory_space<vmem>>) target_semaphore(%arg22 : memref<!tpu.dma_semaphore, #tpu.memory_space<semaphore_mem>>)
    %dma_wait3A_43 = arith.constant 0 : i32
    %dma_wait3A_44 = tpu.memref_slice %arg3[%dma_wait3A_43] : memref<331776xi32, #tpu.memory_space<hbm>> -> memref<128xi32, #tpu.memory_space<hbm>>
    %dma_wait3A_45 = arith.constant 0 : i32
    %dma_wait3A_46 = tpu.memref_slice %arg3[%dma_wait3A_45] : memref<331776xi32, #tpu.memory_space<hbm>> -> memref<128xi32, #tpu.memory_space<hbm>>
    tpu.wait_dma2 semaphore(%arg19 : memref<!tpu.dma_semaphore, #tpu.memory_space<semaphore_mem>>) src(%dma_wait3A_46 : memref<128xi32, #tpu.memory_space<hbm>>) dst(%arg9 : memref<128xi32, #tpu.memory_space<vmem>>)
    %dma_start3A_47 = arith.constant 0 : i32
    %dma_start3A_48 = arith.constant 0 : i32
    %dma_start3A_49 = tpu.memref_slice %arg2[%dma_start3A_47, %dma_start3A_48] : memref<10000x128xf32, #tpu.memory_space<hbm>> -> memref<10000x128xf32, #tpu.memory_space<hbm>>
    tpu.enqueue_indirect_dma source(%dma_start3A_49 : memref<10000x128xf32, #tpu.memory_space<hbm>>) target(%arg15 : memref<128x128xf32, #tpu.memory_space<vmem>>) offsets(%arg9 : memref<128xi32, #tpu.memory_space<vmem>>) semaphore(%arg25 : memref<!tpu.dma_semaphore, #tpu.memory_space<semaphore_mem>>)
    %dma_wait3A_50 = arith.constant 0 : i32
    %dma_wait3A_51 = arith.constant 0 : i32
    %dma_wait3A_52 = tpu.memref_slice %arg2[%dma_wait3A_50, %dma_wait3A_51] : memref<10000x128xf32, #tpu.memory_space<hbm>> -> memref<128x128xf32, #tpu.memory_space<hbm>>
    %dma_wait3A_53 = arith.constant 0 : i32
    %dma_wait3A_54 = arith.constant 0 : i32
    %dma_wait3A_55 = tpu.memref_slice %arg2[%dma_wait3A_53, %dma_wait3A_54] : memref<10000x128xf32, #tpu.memory_space<hbm>> -> memref<128x128xf32, #tpu.memory_space<hbm>>
    tpu.wait_dma2 semaphore(%arg23 : memref<!tpu.dma_semaphore, #tpu.memory_space<semaphore_mem>>) src(%dma_wait3A_55 : memref<128x128xf32, #tpu.memory_space<hbm>>) dst(%arg13 : memref<128x128xf32, #tpu.memory_space<vmem>>)
    %dma_wait3A_56 = arith.constant 0 : i32
    %dma_wait3A_57 = tpu.memref_slice %arg3[%dma_wait3A_56] : memref<331776xi32, #tpu.memory_space<hbm>> -> memref<128xi32, #tpu.memory_space<hbm>>
    %dma_wait3A_58 = arith.constant 0 : i32
    %dma_wait3A_59 = tpu.memref_slice %arg3[%dma_wait3A_58] : memref<331776xi32, #tpu.memory_space<hbm>> -> memref<128xi32, #tpu.memory_space<hbm>>
    tpu.wait_dma2 semaphore(%arg20 : memref<!tpu.dma_semaphore, #tpu.memory_space<semaphore_mem>>) src(%dma_wait3A_59 : memref<128xi32, #tpu.memory_space<hbm>>) dst(%arg10 : memref<128xi32, #tpu.memory_space<vmem>>)
    %dma_start3A_60 = arith.constant 0 : i32
    %dma_start3A_61 = arith.constant 0 : i32
    %dma_start3A_62 = tpu.memref_slice %arg16[%dma_start3A_60, %dma_start3A_61] : memref<10112x128xf32, #tpu.memory_space<vmem_shared>> -> memref<10112x128xf32, #tpu.memory_space<vmem_shared>>
    tpu.enqueue_indirect_dma source(%arg13 : memref<128x128xf32, #tpu.memory_space<vmem>>) target(%dma_start3A_62 : memref<10112x128xf32, #tpu.memory_space<vmem_shared>>) offsets(%arg10 : memref<128xi32, #tpu.memory_space<vmem>>) semaphore(%arg26 : memref<!tpu.dma_semaphore, #tpu.memory_space<semaphore_mem>>) {add = true}
    %add3A_63 = arith.constant 384 : i32
    %add3A_64 = arith.addi %mul3A_4, %add3A_63 : i32
    %dma_start3A_65 = tpu.memref_slice %arg3[%add3A_64] : memref<331776xi32, #tpu.memory_space<hbm>> -> memref<128xi32, #tpu.memory_space<hbm>>
    %dma_start3A_66 = tpu.memref_slice %arg3[%add3A_64] : memref<331776xi32, #tpu.memory_space<hbm>> -> memref<128xi32, #tpu.memory_space<hbm>>
    tpu.enqueue_dma source(%dma_start3A_66 : memref<128xi32, #tpu.memory_space<hbm>>) target(%arg7 : memref<128xi32, #tpu.memory_space<vmem>>) target_semaphore(%arg17 : memref<!tpu.dma_semaphore, #tpu.memory_space<semaphore_mem>>)
    %scan3A = arith.constant 0 : i32
    %scan3A_67 = arith.constant 0 : i32
    %scan3A_68 = arith.constant 26 : i32
    %scan3A_69 = arith.addi %scan3A_67, %scan3A_68 : i32
    %scan3A_70 = arith.constant 1 : i32
    scf.for %scan3A_122 = %scan3A_67 to %scan3A_69 step %scan3A_70  : i32 {
      %mul3A_123 = arith.constant 3 : i32
      %mul3A_124 = arith.muli %mul3A_123, %scan3A_122 : i32
      %add3A_125 = arith.constant 3 : i32
      %add3A_126 = arith.addi %mul3A_124, %add3A_125 : i32
      %add3A_127 = arith.constant 0 : i32
      %add3A_128 = arith.addi %add3A_126, %add3A_127 : i32
      %dma_wait3A_129 = arith.constant 0 : i32
      %dma_wait3A_130 = arith.constant 0 : i32
      %dma_wait3A_131 = tpu.memref_slice %arg2[%dma_wait3A_129, %dma_wait3A_130] : memref<10000x128xf32, #tpu.memory_space<hbm>> -> memref<128x128xf32, #tpu.memory_space<hbm>>
      %dma_wait3A_132 = arith.constant 0 : i32
      %dma_wait3A_133 = arith.constant 0 : i32
      %dma_wait3A_134 = tpu.memref_slice %arg2[%dma_wait3A_132, %dma_wait3A_133] : memref<10000x128xf32, #tpu.memory_space<hbm>> -> memref<128x128xf32, #tpu.memory_space<hbm>>
      tpu.wait_dma2 semaphore(%arg26 : memref<!tpu.dma_semaphore, #tpu.memory_space<semaphore_mem>>) src(%dma_wait3A_134 : memref<128x128xf32, #tpu.memory_space<hbm>>) dst(%arg13 : memref<128x128xf32, #tpu.memory_space<vmem>>)
      %mul3A_135 = arith.constant 128 : i32
      %mul3A_136 = arith.muli %add3A_128, %mul3A_135 : i32
      %add3A_137 = arith.addi %mul3A_4, %mul3A_136 : i32
      %dma_start3A_138 = tpu.memref_slice %arg4[%add3A_137] : memref<331776xi32, #tpu.memory_space<hbm>> -> memref<128xi32, #tpu.memory_space<hbm>>
      %dma_start3A_139 = tpu.memref_slice %arg4[%add3A_137] : memref<331776xi32, #tpu.memory_space<hbm>> -> memref<128xi32, #tpu.memory_space<hbm>>
      tpu.enqueue_dma source(%dma_start3A_139 : memref<128xi32, #tpu.memory_space<hbm>>) target(%arg10 : memref<128xi32, #tpu.memory_space<vmem>>) target_semaphore(%arg20 : memref<!tpu.dma_semaphore, #tpu.memory_space<semaphore_mem>>)
      %dma_wait3A_140 = arith.constant 0 : i32
      %dma_wait3A_141 = tpu.memref_slice %arg3[%dma_wait3A_140] : memref<331776xi32, #tpu.memory_space<hbm>> -> memref<128xi32, #tpu.memory_space<hbm>>
      %dma_wait3A_142 = arith.constant 0 : i32
      %dma_wait3A_143 = tpu.memref_slice %arg3[%dma_wait3A_142] : memref<331776xi32, #tpu.memory_space<hbm>> -> memref<128xi32, #tpu.memory_space<hbm>>
      tpu.wait_dma2 semaphore(%arg17 : memref<!tpu.dma_semaphore, #tpu.memory_space<semaphore_mem>>) src(%dma_wait3A_143 : memref<128xi32, #tpu.memory_space<hbm>>) dst(%arg7 : memref<128xi32, #tpu.memory_space<vmem>>)
      %dma_start3A_144 = arith.constant 0 : i32
      %dma_start3A_145 = arith.constant 0 : i32
      %dma_start3A_146 = tpu.memref_slice %arg2[%dma_start3A_144, %dma_start3A_145] : memref<10000x128xf32, #tpu.memory_space<hbm>> -> memref<10000x128xf32, #tpu.memory_space<hbm>>
      tpu.enqueue_indirect_dma source(%dma_start3A_146 : memref<10000x128xf32, #tpu.memory_space<hbm>>) target(%arg13 : memref<128x128xf32, #tpu.memory_space<vmem>>) offsets(%arg7 : memref<128xi32, #tpu.memory_space<vmem>>) semaphore(%arg23 : memref<!tpu.dma_semaphore, #tpu.memory_space<semaphore_mem>>)
      %dma_wait3A_147 = arith.constant 0 : i32
      %dma_wait3A_148 = arith.constant 0 : i32
      %dma_wait3A_149 = tpu.memref_slice %arg2[%dma_wait3A_147, %dma_wait3A_148] : memref<10000x128xf32, #tpu.memory_space<hbm>> -> memref<128x128xf32, #tpu.memory_space<hbm>>
      %dma_wait3A_150 = arith.constant 0 : i32
      %dma_wait3A_151 = arith.constant 0 : i32
      %dma_wait3A_152 = tpu.memref_slice %arg2[%dma_wait3A_150, %dma_wait3A_151] : memref<10000x128xf32, #tpu.memory_space<hbm>> -> memref<128x128xf32, #tpu.memory_space<hbm>>
      tpu.wait_dma2 semaphore(%arg24 : memref<!tpu.dma_semaphore, #tpu.memory_space<semaphore_mem>>) src(%dma_wait3A_152 : memref<128x128xf32, #tpu.memory_space<hbm>>) dst(%arg14 : memref<128x128xf32, #tpu.memory_space<vmem>>)
      %dma_wait3A_153 = arith.constant 0 : i32
      %dma_wait3A_154 = tpu.memref_slice %arg3[%dma_wait3A_153] : memref<331776xi32, #tpu.memory_space<hbm>> -> memref<128xi32, #tpu.memory_space<hbm>>
      %dma_wait3A_155 = arith.constant 0 : i32
      %dma_wait3A_156 = tpu.memref_slice %arg3[%dma_wait3A_155] : memref<331776xi32, #tpu.memory_space<hbm>> -> memref<128xi32, #tpu.memory_space<hbm>>
      tpu.wait_dma2 semaphore(%arg21 : memref<!tpu.dma_semaphore, #tpu.memory_space<semaphore_mem>>) src(%dma_wait3A_156 : memref<128xi32, #tpu.memory_space<hbm>>) dst(%arg11 : memref<128xi32, #tpu.memory_space<vmem>>)
      %dma_start3A_157 = arith.constant 0 : i32
      %dma_start3A_158 = arith.constant 0 : i32
      %dma_start3A_159 = tpu.memref_slice %arg16[%dma_start3A_157, %dma_start3A_158] : memref<10112x128xf32, #tpu.memory_space<vmem_shared>> -> memref<10112x128xf32, #tpu.memory_space<vmem_shared>>
      tpu.enqueue_indirect_dma source(%arg14 : memref<128x128xf32, #tpu.memory_space<vmem>>) target(%dma_start3A_159 : memref<10112x128xf32, #tpu.memory_space<vmem_shared>>) offsets(%arg11 : memref<128xi32, #tpu.memory_space<vmem>>) semaphore(%arg27 : memref<!tpu.dma_semaphore, #tpu.memory_space<semaphore_mem>>) {add = true}
      %add3A_160 = arith.constant 1 : i32
      %add3A_161 = arith.addi %add3A_128, %add3A_160 : i32
      %mul3A_162 = arith.constant 128 : i32
      %mul3A_163 = arith.muli %add3A_161, %mul3A_162 : i32
      %add3A_164 = arith.addi %mul3A_4, %mul3A_163 : i32
      %dma_start3A_165 = tpu.memref_slice %arg3[%add3A_164] : memref<331776xi32, #tpu.memory_space<hbm>> -> memref<128xi32, #tpu.memory_space<hbm>>
      %dma_start3A_166 = tpu.memref_slice %arg3[%add3A_164] : memref<331776xi32, #tpu.memory_space<hbm>> -> memref<128xi32, #tpu.memory_space<hbm>>
      tpu.enqueue_dma source(%dma_start3A_166 : memref<128xi32, #tpu.memory_space<hbm>>) target(%arg8 : memref<128xi32, #tpu.memory_space<vmem>>) target_semaphore(%arg18 : memref<!tpu.dma_semaphore, #tpu.memory_space<semaphore_mem>>)
      %add3A_167 = arith.constant 1 : i32
      %add3A_168 = arith.addi %add3A_126, %add3A_167 : i32
      %dma_wait3A_169 = arith.constant 0 : i32
      %dma_wait3A_170 = arith.constant 0 : i32
      %dma_wait3A_171 = tpu.memref_slice %arg2[%dma_wait3A_169, %dma_wait3A_170] : memref<10000x128xf32, #tpu.memory_space<hbm>> -> memref<128x128xf32, #tpu.memory_space<hbm>>
      %dma_wait3A_172 = arith.constant 0 : i32
      %dma_wait3A_173 = arith.constant 0 : i32
      %dma_wait3A_174 = tpu.memref_slice %arg2[%dma_wait3A_172, %dma_wait3A_173] : memref<10000x128xf32, #tpu.memory_space<hbm>> -> memref<128x128xf32, #tpu.memory_space<hbm>>
      tpu.wait_dma2 semaphore(%arg27 : memref<!tpu.dma_semaphore, #tpu.memory_space<semaphore_mem>>) src(%dma_wait3A_174 : memref<128x128xf32, #tpu.memory_space<hbm>>) dst(%arg14 : memref<128x128xf32, #tpu.memory_space<vmem>>)
      %mul3A_175 = arith.constant 128 : i32
      %mul3A_176 = arith.muli %add3A_168, %mul3A_175 : i32
      %add3A_177 = arith.addi %mul3A_4, %mul3A_176 : i32
      %dma_start3A_178 = tpu.memref_slice %arg4[%add3A_177] : memref<331776xi32, #tpu.memory_space<hbm>> -> memref<128xi32, #tpu.memory_space<hbm>>
      %dma_start3A_179 = tpu.memref_slice %arg4[%add3A_177] : memref<331776xi32, #tpu.memory_space<hbm>> -> memref<128xi32, #tpu.memory_space<hbm>>
      tpu.enqueue_dma source(%dma_start3A_179 : memref<128xi32, #tpu.memory_space<hbm>>) target(%arg11 : memref<128xi32, #tpu.memory_space<vmem>>) target_semaphore(%arg21 : memref<!tpu.dma_semaphore, #tpu.memory_space<semaphore_mem>>)
      %dma_wait3A_180 = arith.constant 0 : i32
      %dma_wait3A_181 = tpu.memref_slice %arg3[%dma_wait3A_180] : memref<331776xi32, #tpu.memory_space<hbm>> -> memref<128xi32, #tpu.memory_space<hbm>>
      %dma_wait3A_182 = arith.constant 0 : i32
      %dma_wait3A_183 = tpu.memref_slice %arg3[%dma_wait3A_182] : memref<331776xi32, #tpu.memory_space<hbm>> -> memref<128xi32, #tpu.memory_space<hbm>>
      tpu.wait_dma2 semaphore(%arg18 : memref<!tpu.dma_semaphore, #tpu.memory_space<semaphore_mem>>) src(%dma_wait3A_183 : memref<128xi32, #tpu.memory_space<hbm>>) dst(%arg8 : memref<128xi32, #tpu.memory_space<vmem>>)
      %dma_start3A_184 = arith.constant 0 : i32
      %dma_start3A_185 = arith.constant 0 : i32
      %dma_start3A_186 = tpu.memref_slice %arg2[%dma_start3A_184, %dma_start3A_185] : memref<10000x128xf32, #tpu.memory_space<hbm>> -> memref<10000x128xf32, #tpu.memory_space<hbm>>
      tpu.enqueue_indirect_dma source(%dma_start3A_186 : memref<10000x128xf32, #tpu.memory_space<hbm>>) target(%arg14 : memref<128x128xf32, #tpu.memory_space<vmem>>) offsets(%arg8 : memref<128xi32, #tpu.memory_space<vmem>>) semaphore(%arg24 : memref<!tpu.dma_semaphore, #tpu.memory_space<semaphore_mem>>)
      %dma_wait3A_187 = arith.constant 0 : i32
      %dma_wait3A_188 = arith.constant 0 : i32
      %dma_wait3A_189 = tpu.memref_slice %arg2[%dma_wait3A_187, %dma_wait3A_188] : memref<10000x128xf32, #tpu.memory_space<hbm>> -> memref<128x128xf32, #tpu.memory_space<hbm>>
      %dma_wait3A_190 = arith.constant 0 : i32
      %dma_wait3A_191 = arith.constant 0 : i32
      %dma_wait3A_192 = tpu.memref_slice %arg2[%dma_wait3A_190, %dma_wait3A_191] : memref<10000x128xf32, #tpu.memory_space<hbm>> -> memref<128x128xf32, #tpu.memory_space<hbm>>
      tpu.wait_dma2 semaphore(%arg25 : memref<!tpu.dma_semaphore, #tpu.memory_space<semaphore_mem>>) src(%dma_wait3A_192 : memref<128x128xf32, #tpu.memory_space<hbm>>) dst(%arg15 : memref<128x128xf32, #tpu.memory_space<vmem>>)
      %dma_wait3A_193 = arith.constant 0 : i32
      %dma_wait3A_194 = tpu.memref_slice %arg3[%dma_wait3A_193] : memref<331776xi32, #tpu.memory_space<hbm>> -> memref<128xi32, #tpu.memory_space<hbm>>
      %dma_wait3A_195 = arith.constant 0 : i32
      %dma_wait3A_196 = tpu.memref_slice %arg3[%dma_wait3A_195] : memref<331776xi32, #tpu.memory_space<hbm>> -> memref<128xi32, #tpu.memory_space<hbm>>
      tpu.wait_dma2 semaphore(%arg22 : memref<!tpu.dma_semaphore, #tpu.memory_space<semaphore_mem>>) src(%dma_wait3A_196 : memref<128xi32, #tpu.memory_space<hbm>>) dst(%arg12 : memref<128xi32, #tpu.memory_space<vmem>>)
      %dma_start3A_197 = arith.constant 0 : i32
      %dma_start3A_198 = arith.constant 0 : i32
      %dma_start3A_199 = tpu.memref_slice %arg16[%dma_start3A_197, %dma_start3A_198] : memref<10112x128xf32, #tpu.memory_space<vmem_shared>> -> memref<10112x128xf32, #tpu.memory_space<vmem_shared>>
      tpu.enqueue_indirect_dma source(%arg15 : memref<128x128xf32, #tpu.memory_space<vmem>>) target(%dma_start3A_199 : memref<10112x128xf32, #tpu.memory_space<vmem_shared>>) offsets(%arg12 : memref<128xi32, #tpu.memory_space<vmem>>) semaphore(%arg28 : memref<!tpu.dma_semaphore, #tpu.memory_space<semaphore_mem>>) {add = true}
      %add3A_200 = arith.constant 1 : i32
      %add3A_201 = arith.addi %add3A_168, %add3A_200 : i32
      %mul3A_202 = arith.constant 128 : i32
      %mul3A_203 = arith.muli %add3A_201, %mul3A_202 : i32
      %add3A_204 = arith.addi %mul3A_4, %mul3A_203 : i32
      %dma_start3A_205 = tpu.memref_slice %arg3[%add3A_204] : memref<331776xi32, #tpu.memory_space<hbm>> -> memref<128xi32, #tpu.memory_space<hbm>>
      %dma_start3A_206 = tpu.memref_slice %arg3[%add3A_204] : memref<331776xi32, #tpu.memory_space<hbm>> -> memref<128xi32, #tpu.memory_space<hbm>>
      tpu.enqueue_dma source(%dma_start3A_206 : memref<128xi32, #tpu.memory_space<hbm>>) target(%arg9 : memref<128xi32, #tpu.memory_space<vmem>>) target_semaphore(%arg19 : memref<!tpu.dma_semaphore, #tpu.memory_space<semaphore_mem>>)
      %add3A_207 = arith.constant 2 : i32
      %add3A_208 = arith.addi %add3A_126, %add3A_207 : i32
      %dma_wait3A_209 = arith.constant 0 : i32
      %dma_wait3A_210 = arith.constant 0 : i32
      %dma_wait3A_211 = tpu.memref_slice %arg2[%dma_wait3A_209, %dma_wait3A_210] : memref<10000x128xf32, #tpu.memory_space<hbm>> -> memref<128x128xf32, #tpu.memory_space<hbm>>
      %dma_wait3A_212 = arith.constant 0 : i32
      %dma_wait3A_213 = arith.constant 0 : i32
      %dma_wait3A_214 = tpu.memref_slice %arg2[%dma_wait3A_212, %dma_wait3A_213] : memref<10000x128xf32, #tpu.memory_space<hbm>> -> memref<128x128xf32, #tpu.memory_space<hbm>>
      tpu.wait_dma2 semaphore(%arg28 : memref<!tpu.dma_semaphore, #tpu.memory_space<semaphore_mem>>) src(%dma_wait3A_214 : memref<128x128xf32, #tpu.memory_space<hbm>>) dst(%arg15 : memref<128x128xf32, #tpu.memory_space<vmem>>)
      %mul3A_215 = arith.constant 128 : i32
      %mul3A_216 = arith.muli %add3A_208, %mul3A_215 : i32
      %add3A_217 = arith.addi %mul3A_4, %mul3A_216 : i32
      %dma_start3A_218 = tpu.memref_slice %arg4[%add3A_217] : memref<331776xi32, #tpu.memory_space<hbm>> -> memref<128xi32, #tpu.memory_space<hbm>>
      %dma_start3A_219 = tpu.memref_slice %arg4[%add3A_217] : memref<331776xi32, #tpu.memory_space<hbm>> -> memref<128xi32, #tpu.memory_space<hbm>>
      tpu.enqueue_dma source(%dma_start3A_219 : memref<128xi32, #tpu.memory_space<hbm>>) target(%arg12 : memref<128xi32, #tpu.memory_space<vmem>>) target_semaphore(%arg22 : memref<!tpu.dma_semaphore, #tpu.memory_space<semaphore_mem>>)
      %dma_wait3A_220 = arith.constant 0 : i32
      %dma_wait3A_221 = tpu.memref_slice %arg3[%dma_wait3A_220] : memref<331776xi32, #tpu.memory_space<hbm>> -> memref<128xi32, #tpu.memory_space<hbm>>
      %dma_wait3A_222 = arith.constant 0 : i32
      %dma_wait3A_223 = tpu.memref_slice %arg3[%dma_wait3A_222] : memref<331776xi32, #tpu.memory_space<hbm>> -> memref<128xi32, #tpu.memory_space<hbm>>
      tpu.wait_dma2 semaphore(%arg19 : memref<!tpu.dma_semaphore, #tpu.memory_space<semaphore_mem>>) src(%dma_wait3A_223 : memref<128xi32, #tpu.memory_space<hbm>>) dst(%arg9 : memref<128xi32, #tpu.memory_space<vmem>>)
      %dma_start3A_224 = arith.constant 0 : i32
      %dma_start3A_225 = arith.constant 0 : i32
      %dma_start3A_226 = tpu.memref_slice %arg2[%dma_start3A_224, %dma_start3A_225] : memref<10000x128xf32, #tpu.memory_space<hbm>> -> memref<10000x128xf32, #tpu.memory_space<hbm>>
      tpu.enqueue_indirect_dma source(%dma_start3A_226 : memref<10000x128xf32, #tpu.memory_space<hbm>>) target(%arg15 : memref<128x128xf32, #tpu.memory_space<vmem>>) offsets(%arg9 : memref<128xi32, #tpu.memory_space<vmem>>) semaphore(%arg25 : memref<!tpu.dma_semaphore, #tpu.memory_space<semaphore_mem>>)
      %dma_wait3A_227 = arith.constant 0 : i32
      %dma_wait3A_228 = arith.constant 0 : i32
      %dma_wait3A_229 = tpu.memref_slice %arg2[%dma_wait3A_227, %dma_wait3A_228] : memref<10000x128xf32, #tpu.memory_space<hbm>> -> memref<128x128xf32, #tpu.memory_space<hbm>>
      %dma_wait3A_230 = arith.constant 0 : i32
      %dma_wait3A_231 = arith.constant 0 : i32
      %dma_wait3A_232 = tpu.memref_slice %arg2[%dma_wait3A_230, %dma_wait3A_231] : memref<10000x128xf32, #tpu.memory_space<hbm>> -> memref<128x128xf32, #tpu.memory_space<hbm>>
      tpu.wait_dma2 semaphore(%arg23 : memref<!tpu.dma_semaphore, #tpu.memory_space<semaphore_mem>>) src(%dma_wait3A_232 : memref<128x128xf32, #tpu.memory_space<hbm>>) dst(%arg13 : memref<128x128xf32, #tpu.memory_space<vmem>>)
      %dma_wait3A_233 = arith.constant 0 : i32
      %dma_wait3A_234 = tpu.memref_slice %arg3[%dma_wait3A_233] : memref<331776xi32, #tpu.memory_space<hbm>> -> memref<128xi32, #tpu.memory_space<hbm>>
      %dma_wait3A_235 = arith.constant 0 : i32
      %dma_wait3A_236 = tpu.memref_slice %arg3[%dma_wait3A_235] : memref<331776xi32, #tpu.memory_space<hbm>> -> memref<128xi32, #tpu.memory_space<hbm>>
      tpu.wait_dma2 semaphore(%arg20 : memref<!tpu.dma_semaphore, #tpu.memory_space<semaphore_mem>>) src(%dma_wait3A_236 : memref<128xi32, #tpu.memory_space<hbm>>) dst(%arg10 : memref<128xi32, #tpu.memory_space<vmem>>)
      %dma_start3A_237 = arith.constant 0 : i32
      %dma_start3A_238 = arith.constant 0 : i32
      %dma_start3A_239 = tpu.memref_slice %arg16[%dma_start3A_237, %dma_start3A_238] : memref<10112x128xf32, #tpu.memory_space<vmem_shared>> -> memref<10112x128xf32, #tpu.memory_space<vmem_shared>>
      tpu.enqueue_indirect_dma source(%arg13 : memref<128x128xf32, #tpu.memory_space<vmem>>) target(%dma_start3A_239 : memref<10112x128xf32, #tpu.memory_space<vmem_shared>>) offsets(%arg10 : memref<128xi32, #tpu.memory_space<vmem>>) semaphore(%arg26 : memref<!tpu.dma_semaphore, #tpu.memory_space<semaphore_mem>>) {add = true}
      %lt3A = arith.constant 25 : i32
      %lt3A_240 = arith.cmpi slt, %scan3A_122, %lt3A : i32
      %convert_element_type3A_241 = arith.extui %lt3A_240 : i1 to i32
      %cond3A_242 = arith.constant 0 : i32
      %cond3A_243 = arith.cmpi ne, %convert_element_type3A_241, %cond3A_242 : i32
      scf.if %cond3A_243 {
        %add3A_244 = arith.constant 1 : i32
        %add3A_245 = arith.addi %add3A_208, %add3A_244 : i32
        %mul3A_246 = arith.constant 128 : i32
        %mul3A_247 = arith.muli %add3A_245, %mul3A_246 : i32
        %add3A_248 = arith.addi %mul3A_4, %mul3A_247 : i32
        %dma_start3A_249 = tpu.memref_slice %arg3[%add3A_248] : memref<331776xi32, #tpu.memory_space<hbm>> -> memref<128xi32, #tpu.memory_space<hbm>>
        %dma_start3A_250 = tpu.memref_slice %arg3[%add3A_248] : memref<331776xi32, #tpu.memory_space<hbm>> -> memref<128xi32, #tpu.memory_space<hbm>>
        tpu.enqueue_dma source(%dma_start3A_250 : memref<128xi32, #tpu.memory_space<hbm>>) target(%arg7 : memref<128xi32, #tpu.memory_space<vmem>>) target_semaphore(%arg17 : memref<!tpu.dma_semaphore, #tpu.memory_space<semaphore_mem>>)
      } else {
      }
    }
    %scan3A_71 = arith.constant 26 : i32
    %dma_wait3A_72 = arith.constant 0 : i32
    %dma_wait3A_73 = arith.constant 0 : i32
    %dma_wait3A_74 = tpu.memref_slice %arg2[%dma_wait3A_72, %dma_wait3A_73] : memref<10000x128xf32, #tpu.memory_space<hbm>> -> memref<128x128xf32, #tpu.memory_space<hbm>>
    %dma_wait3A_75 = arith.constant 0 : i32
    %dma_wait3A_76 = arith.constant 0 : i32
    %dma_wait3A_77 = tpu.memref_slice %arg2[%dma_wait3A_75, %dma_wait3A_76] : memref<10000x128xf32, #tpu.memory_space<hbm>> -> memref<128x128xf32, #tpu.memory_space<hbm>>
    tpu.wait_dma2 semaphore(%arg24 : memref<!tpu.dma_semaphore, #tpu.memory_space<semaphore_mem>>) src(%dma_wait3A_77 : memref<128x128xf32, #tpu.memory_space<hbm>>) dst(%arg14 : memref<128x128xf32, #tpu.memory_space<vmem>>)
    %dma_wait3A_78 = arith.constant 0 : i32
    %dma_wait3A_79 = tpu.memref_slice %arg3[%dma_wait3A_78] : memref<331776xi32, #tpu.memory_space<hbm>> -> memref<128xi32, #tpu.memory_space<hbm>>
    %dma_wait3A_80 = arith.constant 0 : i32
    %dma_wait3A_81 = tpu.memref_slice %arg3[%dma_wait3A_80] : memref<331776xi32, #tpu.memory_space<hbm>> -> memref<128xi32, #tpu.memory_space<hbm>>
    tpu.wait_dma2 semaphore(%arg21 : memref<!tpu.dma_semaphore, #tpu.memory_space<semaphore_mem>>) src(%dma_wait3A_81 : memref<128xi32, #tpu.memory_space<hbm>>) dst(%arg11 : memref<128xi32, #tpu.memory_space<vmem>>)
    %dma_start3A_82 = arith.constant 0 : i32
    %dma_start3A_83 = arith.constant 0 : i32
    %dma_start3A_84 = tpu.memref_slice %arg16[%dma_start3A_82, %dma_start3A_83] : memref<10112x128xf32, #tpu.memory_space<vmem_shared>> -> memref<10112x128xf32, #tpu.memory_space<vmem_shared>>
    tpu.enqueue_indirect_dma source(%arg14 : memref<128x128xf32, #tpu.memory_space<vmem>>) target(%dma_start3A_84 : memref<10112x128xf32, #tpu.memory_space<vmem_shared>>) offsets(%arg11 : memref<128xi32, #tpu.memory_space<vmem>>) semaphore(%arg27 : memref<!tpu.dma_semaphore, #tpu.memory_space<semaphore_mem>>) {add = true}
    %dma_wait3A_85 = arith.constant 0 : i32
    %dma_wait3A_86 = arith.constant 0 : i32
    %dma_wait3A_87 = tpu.memref_slice %arg2[%dma_wait3A_85, %dma_wait3A_86] : memref<10000x128xf32, #tpu.memory_space<hbm>> -> memref<128x128xf32, #tpu.memory_space<hbm>>
    %dma_wait3A_88 = arith.constant 0 : i32
    %dma_wait3A_89 = arith.constant 0 : i32
    %dma_wait3A_90 = tpu.memref_slice %arg2[%dma_wait3A_88, %dma_wait3A_89] : memref<10000x128xf32, #tpu.memory_space<hbm>> -> memref<128x128xf32, #tpu.memory_space<hbm>>
    tpu.wait_dma2 semaphore(%arg25 : memref<!tpu.dma_semaphore, #tpu.memory_space<semaphore_mem>>) src(%dma_wait3A_90 : memref<128x128xf32, #tpu.memory_space<hbm>>) dst(%arg15 : memref<128x128xf32, #tpu.memory_space<vmem>>)
    %dma_wait3A_91 = arith.constant 0 : i32
    %dma_wait3A_92 = tpu.memref_slice %arg3[%dma_wait3A_91] : memref<331776xi32, #tpu.memory_space<hbm>> -> memref<128xi32, #tpu.memory_space<hbm>>
    %dma_wait3A_93 = arith.constant 0 : i32
    %dma_wait3A_94 = tpu.memref_slice %arg3[%dma_wait3A_93] : memref<331776xi32, #tpu.memory_space<hbm>> -> memref<128xi32, #tpu.memory_space<hbm>>
    tpu.wait_dma2 semaphore(%arg22 : memref<!tpu.dma_semaphore, #tpu.memory_space<semaphore_mem>>) src(%dma_wait3A_94 : memref<128xi32, #tpu.memory_space<hbm>>) dst(%arg12 : memref<128xi32, #tpu.memory_space<vmem>>)
    %dma_start3A_95 = arith.constant 0 : i32
    %dma_start3A_96 = arith.constant 0 : i32
    %dma_start3A_97 = tpu.memref_slice %arg16[%dma_start3A_95, %dma_start3A_96] : memref<10112x128xf32, #tpu.memory_space<vmem_shared>> -> memref<10112x128xf32, #tpu.memory_space<vmem_shared>>
    tpu.enqueue_indirect_dma source(%arg15 : memref<128x128xf32, #tpu.memory_space<vmem>>) target(%dma_start3A_97 : memref<10112x128xf32, #tpu.memory_space<vmem_shared>>) offsets(%arg12 : memref<128xi32, #tpu.memory_space<vmem>>) semaphore(%arg28 : memref<!tpu.dma_semaphore, #tpu.memory_space<semaphore_mem>>) {add = true}
    %dma_wait3A_98 = arith.constant 0 : i32
    %dma_wait3A_99 = arith.constant 0 : i32
    %dma_wait3A_100 = tpu.memref_slice %arg2[%dma_wait3A_98, %dma_wait3A_99] : memref<10000x128xf32, #tpu.memory_space<hbm>> -> memref<128x128xf32, #tpu.memory_space<hbm>>
    %dma_wait3A_101 = arith.constant 0 : i32
    %dma_wait3A_102 = arith.constant 0 : i32
    %dma_wait3A_103 = tpu.memref_slice %arg2[%dma_wait3A_101, %dma_wait3A_102] : memref<10000x128xf32, #tpu.memory_space<hbm>> -> memref<128x128xf32, #tpu.memory_space<hbm>>
    tpu.wait_dma2 semaphore(%arg26 : memref<!tpu.dma_semaphore, #tpu.memory_space<semaphore_mem>>) src(%dma_wait3A_103 : memref<128x128xf32, #tpu.memory_space<hbm>>) dst(%arg13 : memref<128x128xf32, #tpu.memory_space<vmem>>)
    %dma_wait3A_104 = arith.constant 0 : i32
    %dma_wait3A_105 = arith.constant 0 : i32
    %dma_wait3A_106 = tpu.memref_slice %arg2[%dma_wait3A_104, %dma_wait3A_105] : memref<10000x128xf32, #tpu.memory_space<hbm>> -> memref<128x128xf32, #tpu.memory_space<hbm>>
    %dma_wait3A_107 = arith.constant 0 : i32
    %dma_wait3A_108 = arith.constant 0 : i32
    %dma_wait3A_109 = tpu.memref_slice %arg2[%dma_wait3A_107, %dma_wait3A_108] : memref<10000x128xf32, #tpu.memory_space<hbm>> -> memref<128x128xf32, #tpu.memory_space<hbm>>
    tpu.wait_dma2 semaphore(%arg27 : memref<!tpu.dma_semaphore, #tpu.memory_space<semaphore_mem>>) src(%dma_wait3A_109 : memref<128x128xf32, #tpu.memory_space<hbm>>) dst(%arg14 : memref<128x128xf32, #tpu.memory_space<vmem>>)
    %dma_wait3A_110 = arith.constant 0 : i32
    %dma_wait3A_111 = arith.constant 0 : i32
    %dma_wait3A_112 = tpu.memref_slice %arg2[%dma_wait3A_110, %dma_wait3A_111] : memref<10000x128xf32, #tpu.memory_space<hbm>> -> memref<128x128xf32, #tpu.memory_space<hbm>>
    %dma_wait3A_113 = arith.constant 0 : i32
    %dma_wait3A_114 = arith.constant 0 : i32
    %dma_wait3A_115 = tpu.memref_slice %arg2[%dma_wait3A_113, %dma_wait3A_114] : memref<10000x128xf32, #tpu.memory_space<hbm>> -> memref<128x128xf32, #tpu.memory_space<hbm>>
    tpu.wait_dma2 semaphore(%arg28 : memref<!tpu.dma_semaphore, #tpu.memory_space<semaphore_mem>>) src(%dma_wait3A_115 : memref<128x128xf32, #tpu.memory_space<hbm>>) dst(%arg15 : memref<128x128xf32, #tpu.memory_space<vmem>>)
    %barrier3A_116 = arith.constant 0 : index
    tpu.barrier barrier_id(%barrier3A_116)
    "tpu.region"() ({
      %run_scoped3A = tpu.sem_alloc : memref<!tpu.dma_semaphore, #tpu.memory_space<semaphore_mem>>
      %dma_start3A_122 = arith.constant 0 : i32
      %dma_start3A_123 = tpu.memref_slice %arg6[%arg0, %mul3A_2, %dma_start3A_122] : memref<2x10000x128xf32, #tpu.memory_space<hbm>> -> memref<1x624x128xf32, #tpu.memory_space<hbm>>
      %dma_start3A_124 = tpu.memref_squeeze %dma_start3A_123 : memref<1x624x128xf32, #tpu.memory_space<hbm>> -> memref<624x128xf32, #tpu.memory_space<hbm>>
      %dma_start3A_125 = arith.constant 0 : i32
      %dma_start3A_126 = tpu.memref_slice %arg16[%mul3A_2, %dma_start3A_125] : memref<10112x128xf32, #tpu.memory_space<vmem_shared>> -> memref<624x128xf32, #tpu.memory_space<vmem_shared>>
      tpu.enqueue_dma source(%dma_start3A_126 : memref<624x128xf32, #tpu.memory_space<vmem_shared>>) target(%dma_start3A_124 : memref<624x128xf32, #tpu.memory_space<hbm>>) target_semaphore(%run_scoped3A : memref<!tpu.dma_semaphore, #tpu.memory_space<semaphore_mem>>)
      %dma_wait3A_127 = arith.constant 0 : i32
      %dma_wait3A_128 = tpu.memref_slice %arg6[%arg0, %mul3A_2, %dma_wait3A_127] : memref<2x10000x128xf32, #tpu.memory_space<hbm>> -> memref<1x624x128xf32, #tpu.memory_space<hbm>>
      %dma_wait3A_129 = tpu.memref_squeeze %dma_wait3A_128 : memref<1x624x128xf32, #tpu.memory_space<hbm>> -> memref<624x128xf32, #tpu.memory_space<hbm>>
      %dma_wait3A_130 = arith.constant 0 : i32
      %dma_wait3A_131 = tpu.memref_slice %arg16[%mul3A_2, %dma_wait3A_130] : memref<10112x128xf32, #tpu.memory_space<vmem_shared>> -> memref<624x128xf32, #tpu.memory_space<vmem_shared>>
      tpu.wait_dma2 semaphore(%run_scoped3A : memref<!tpu.dma_semaphore, #tpu.memory_space<semaphore_mem>>) src(%dma_wait3A_131 : memref<624x128xf32, #tpu.memory_space<vmem_shared>>) dst(%dma_wait3A_129 : memref<624x128xf32, #tpu.memory_space<hbm>>)
      tpu.yield
    }) : () -> ()
    %eq3A_117 = arith.constant 15 : i32
    %eq3A_118 = arith.cmpi eq, %arg1, %eq3A_117 : i32
    %convert_element_type3A_119 = arith.extui %eq3A_118 : i1 to i32
    %cond3A_120 = arith.constant 0 : i32
    %cond3A_121 = arith.cmpi ne, %convert_element_type3A_119, %cond3A_120 : i32
    scf.if %cond3A_121 {
      "tpu.region"() ({
        %run_scoped3A = tpu.sem_alloc : memref<!tpu.dma_semaphore, #tpu.memory_space<semaphore_mem>>
        %dma_start3A_122 = arith.constant 9984 : i32
        %dma_start3A_123 = arith.constant 0 : i32
        %dma_start3A_124 = tpu.memref_slice %arg6[%arg0, %dma_start3A_122, %dma_start3A_123] : memref<2x10000x128xf32, #tpu.memory_space<hbm>> -> memref<1x16x128xf32, #tpu.memory_space<hbm>>
        %dma_start3A_125 = tpu.memref_squeeze %dma_start3A_124 : memref<1x16x128xf32, #tpu.memory_space<hbm>> -> memref<16x128xf32, #tpu.memory_space<hbm>>
        %dma_start3A_126 = arith.constant 9984 : i32
        %dma_start3A_127 = arith.constant 0 : i32
        %dma_start3A_128 = tpu.memref_slice %arg16[%dma_start3A_126, %dma_start3A_127] : memref<10112x128xf32, #tpu.memory_space<vmem_shared>> -> memref<16x128xf32, #tpu.memory_space<vmem_shared>>
        tpu.enqueue_dma source(%dma_start3A_128 : memref<16x128xf32, #tpu.memory_space<vmem_shared>>) target(%dma_start3A_125 : memref<16x128xf32, #tpu.memory_space<hbm>>) target_semaphore(%run_scoped3A : memref<!tpu.dma_semaphore, #tpu.memory_space<semaphore_mem>>)
        %dma_wait3A_129 = arith.constant 9984 : i32
        %dma_wait3A_130 = arith.constant 0 : i32
        %dma_wait3A_131 = tpu.memref_slice %arg6[%arg0, %dma_wait3A_129, %dma_wait3A_130] : memref<2x10000x128xf32, #tpu.memory_space<hbm>> -> memref<1x16x128xf32, #tpu.memory_space<hbm>>
        %dma_wait3A_132 = tpu.memref_squeeze %dma_wait3A_131 : memref<1x16x128xf32, #tpu.memory_space<hbm>> -> memref<16x128xf32, #tpu.memory_space<hbm>>
        %dma_wait3A_133 = arith.constant 9984 : i32
        %dma_wait3A_134 = arith.constant 0 : i32
        %dma_wait3A_135 = tpu.memref_slice %arg16[%dma_wait3A_133, %dma_wait3A_134] : memref<10112x128xf32, #tpu.memory_space<vmem_shared>> -> memref<16x128xf32, #tpu.memory_space<vmem_shared>>
        tpu.wait_dma2 semaphore(%run_scoped3A : memref<!tpu.dma_semaphore, #tpu.memory_space<semaphore_mem>>) src(%dma_wait3A_135 : memref<16x128xf32, #tpu.memory_space<vmem_shared>>) dst(%dma_wait3A_132 : memref<16x128xf32, #tpu.memory_space<hbm>>)
        tpu.yield
      }) : () -> ()
    } else {
    }
    return
  }
}

#map = affine_map<(d0, d1) -> (0, 0)>
#map1 = affine_map<(d0, d1) -> (0)>
#map2 = affine_map<(d0, d1) -> (0, 0, 0)>
module attributes {stable_mosaic.version = 14 : i64} {
  func.func @_edge_pass(%arg0: i32, %arg1: i32, %arg2: memref<10000x128xf32, #tpu.memory_space<hbm>>, %arg3: memref<331776xi32, #tpu.memory_space<hbm>>, %arg4: memref<331776xi32, #tpu.memory_space<hbm>>, %arg5: memref<10000x128xf32, #tpu.memory_space<hbm>>, %arg6: memref<2x10000x128xf32, #tpu.memory_space<hbm>>, %arg7: memref<128xi32, #tpu.memory_space<vmem>>, %arg8: memref<128xi32, #tpu.memory_space<vmem>>, %arg9: memref<128xi32, #tpu.memory_space<vmem>>, %arg10: memref<128xi32, #tpu.memory_space<vmem>>, %arg11: memref<128xi32, #tpu.memory_space<vmem>>, %arg12: memref<128xi32, #tpu.memory_space<vmem>>, %arg13: memref<128x128xf32, #tpu.memory_space<vmem>>, %arg14: memref<128x128xf32, #tpu.memory_space<vmem>>, %arg15: memref<128x128xf32, #tpu.memory_space<vmem>>, %arg16: memref<10112x128xf32, #tpu.memory_space<vmem_shared>>, %arg17: memref<!tpu.dma_semaphore, #tpu.memory_space<semaphore_mem>>, %arg18: memref<!tpu.dma_semaphore, #tpu.memory_space<semaphore_mem>>, %arg19: memref<!tpu.dma_semaphore, #tpu.memory_space<semaphore_mem>>, %arg20: memref<!tpu.dma_semaphore, #tpu.memory_space<semaphore_mem>>, %arg21: memref<!tpu.dma_semaphore, #tpu.memory_space<semaphore_mem>>, %arg22: memref<!tpu.dma_semaphore, #tpu.memory_space<semaphore_mem>>, %arg23: memref<!tpu.dma_semaphore, #tpu.memory_space<semaphore_mem>>, %arg24: memref<!tpu.dma_semaphore, #tpu.memory_space<semaphore_mem>>, %arg25: memref<!tpu.dma_semaphore, #tpu.memory_space<semaphore_mem>>, %arg26: memref<!tpu.dma_semaphore, #tpu.memory_space<semaphore_mem>>, %arg27: memref<!tpu.dma_semaphore, #tpu.memory_space<semaphore_mem>>, %arg28: memref<!tpu.dma_semaphore, #tpu.memory_space<semaphore_mem>>) attributes {dimension_semantics = [#tpu.dimension_semantics<core_parallel>, #tpu.dimension_semantics<subcore_parallel>], iteration_bounds = array<i64: 2, 16>, scalar_prefetch = 0 : i64, scratch_operands = 22 : i64, tpu.core_type = #tpu.core_type<sc_vector_subcore>, window_params = [{transform_indices = #map}, {transform_indices = #map1}, {transform_indices = #map1}, {transform_indices = #map}, {transform_indices = #map2}]} {
    %mul3A = arith.constant 16 : i32
    %mul3A_0 = arith.muli %arg0, %mul3A : i32
    %add3A = arith.addi %mul3A_0, %arg1 : i32
    %mul3A_1 = arith.constant 624 : i32
    %mul3A_2 = arith.muli %arg1, %mul3A_1 : i32
    %mul3A_3 = arith.constant 10368 : i32
    %mul3A_4 = arith.muli %add3A, %mul3A_3 : i32
    "tpu.region"() ({
      %run_scoped3A = tpu.sem_alloc : memref<!tpu.dma_semaphore, #tpu.memory_space<semaphore_mem>>
      %dma_start3A_122 = arith.constant 0 : i32
      %dma_start3A_123 = tpu.memref_slice %arg16[%mul3A_2, %dma_start3A_122] : memref<10112x128xf32, #tpu.memory_space<vmem_shared>> -> memref<624x128xf32, #tpu.memory_space<vmem_shared>>
      %dma_start3A_124 = arith.constant 0 : i32
      %dma_start3A_125 = tpu.memref_slice %arg5[%mul3A_2, %dma_start3A_124] : memref<10000x128xf32, #tpu.memory_space<hbm>> -> memref<624x128xf32, #tpu.memory_space<hbm>>
      tpu.enqueue_dma source(%dma_start3A_125 : memref<624x128xf32, #tpu.memory_space<hbm>>) target(%dma_start3A_123 : memref<624x128xf32, #tpu.memory_space<vmem_shared>>) target_semaphore(%run_scoped3A : memref<!tpu.dma_semaphore, #tpu.memory_space<semaphore_mem>>)
      %dma_wait3A_126 = arith.constant 0 : i32
      %dma_wait3A_127 = tpu.memref_slice %arg16[%mul3A_2, %dma_wait3A_126] : memref<10112x128xf32, #tpu.memory_space<vmem_shared>> -> memref<624x128xf32, #tpu.memory_space<vmem_shared>>
      %dma_wait3A_128 = arith.constant 0 : i32
      %dma_wait3A_129 = tpu.memref_slice %arg5[%mul3A_2, %dma_wait3A_128] : memref<10000x128xf32, #tpu.memory_space<hbm>> -> memref<624x128xf32, #tpu.memory_space<hbm>>
      tpu.wait_dma2 semaphore(%run_scoped3A : memref<!tpu.dma_semaphore, #tpu.memory_space<semaphore_mem>>) src(%dma_wait3A_129 : memref<624x128xf32, #tpu.memory_space<hbm>>) dst(%dma_wait3A_127 : memref<624x128xf32, #tpu.memory_space<vmem_shared>>)
      tpu.yield
    }) : () -> ()
    %eq3A = arith.constant 15 : i32
    %eq3A_5 = arith.cmpi eq, %arg1, %eq3A : i32
    %convert_element_type3A = arith.extui %eq3A_5 : i1 to i32
    %cond3A = arith.constant 0 : i32
    %cond3A_6 = arith.cmpi ne, %convert_element_type3A, %cond3A : i32
    scf.if %cond3A_6 {
      "tpu.region"() ({
        %run_scoped3A = tpu.sem_alloc : memref<!tpu.dma_semaphore, #tpu.memory_space<semaphore_mem>>
        %dma_start3A_122 = arith.constant 9984 : i32
        %dma_start3A_123 = arith.constant 0 : i32
        %dma_start3A_124 = tpu.memref_slice %arg16[%dma_start3A_122, %dma_start3A_123] : memref<10112x128xf32, #tpu.memory_space<vmem_shared>> -> memref<16x128xf32, #tpu.memory_space<vmem_shared>>
        %dma_start3A_125 = arith.constant 9984 : i32
        %dma_start3A_126 = arith.constant 0 : i32
        %dma_start3A_127 = tpu.memref_slice %arg5[%dma_start3A_125, %dma_start3A_126] : memref<10000x128xf32, #tpu.memory_space<hbm>> -> memref<16x128xf32, #tpu.memory_space<hbm>>
        tpu.enqueue_dma source(%dma_start3A_127 : memref<16x128xf32, #tpu.memory_space<hbm>>) target(%dma_start3A_124 : memref<16x128xf32, #tpu.memory_space<vmem_shared>>) target_semaphore(%run_scoped3A : memref<!tpu.dma_semaphore, #tpu.memory_space<semaphore_mem>>)
        %dma_wait3A_128 = arith.constant 9984 : i32
        %dma_wait3A_129 = arith.constant 0 : i32
        %dma_wait3A_130 = tpu.memref_slice %arg16[%dma_wait3A_128, %dma_wait3A_129] : memref<10112x128xf32, #tpu.memory_space<vmem_shared>> -> memref<16x128xf32, #tpu.memory_space<vmem_shared>>
        %dma_wait3A_131 = arith.constant 9984 : i32
        %dma_wait3A_132 = arith.constant 0 : i32
        %dma_wait3A_133 = tpu.memref_slice %arg5[%dma_wait3A_131, %dma_wait3A_132] : memref<10000x128xf32, #tpu.memory_space<hbm>> -> memref<16x128xf32, #tpu.memory_space<hbm>>
        tpu.wait_dma2 semaphore(%run_scoped3A : memref<!tpu.dma_semaphore, #tpu.memory_space<semaphore_mem>>) src(%dma_wait3A_133 : memref<16x128xf32, #tpu.memory_space<hbm>>) dst(%dma_wait3A_130 : memref<16x128xf32, #tpu.memory_space<vmem_shared>>)
        tpu.yield
      }) : () -> ()
    } else {
    }
    %barrier3A = arith.constant 0 : index
    tpu.barrier barrier_id(%barrier3A)
    %add3A_7 = arith.constant 0 : i32
    %add3A_8 = arith.addi %mul3A_4, %add3A_7 : i32
    %dma_start3A = tpu.memref_slice %arg3[%add3A_8] : memref<331776xi32, #tpu.memory_space<hbm>> -> memref<128xi32, #tpu.memory_space<hbm>>
    %dma_start3A_9 = tpu.memref_slice %arg3[%add3A_8] : memref<331776xi32, #tpu.memory_space<hbm>> -> memref<128xi32, #tpu.memory_space<hbm>>
    tpu.enqueue_dma source(%dma_start3A_9 : memref<128xi32, #tpu.memory_space<hbm>>) target(%arg7 : memref<128xi32, #tpu.memory_space<vmem>>) target_semaphore(%arg17 : memref<!tpu.dma_semaphore, #tpu.memory_space<semaphore_mem>>)
    %add3A_10 = arith.constant 128 : i32
    %add3A_11 = arith.addi %mul3A_4, %add3A_10 : i32
    %dma_start3A_12 = tpu.memref_slice %arg3[%add3A_11] : memref<331776xi32, #tpu.memory_space<hbm>> -> memref<128xi32, #tpu.memory_space<hbm>>
    %dma_start3A_13 = tpu.memref_slice %arg3[%add3A_11] : memref<331776xi32, #tpu.memory_space<hbm>> -> memref<128xi32, #tpu.memory_space<hbm>>
    tpu.enqueue_dma source(%dma_start3A_13 : memref<128xi32, #tpu.memory_space<hbm>>) target(%arg8 : memref<128xi32, #tpu.memory_space<vmem>>) target_semaphore(%arg18 : memref<!tpu.dma_semaphore, #tpu.memory_space<semaphore_mem>>)
    %add3A_14 = arith.constant 256 : i32
    %add3A_15 = arith.addi %mul3A_4, %add3A_14 : i32
    %dma_start3A_16 = tpu.memref_slice %arg3[%add3A_15] : memref<331776xi32, #tpu.memory_space<hbm>> -> memref<128xi32, #tpu.memory_space<hbm>>
    %dma_start3A_17 = tpu.memref_slice %arg3[%add3A_15] : memref<331776xi32, #tpu.memory_space<hbm>> -> memref<128xi32, #tpu.memory_space<hbm>>
    tpu.enqueue_dma source(%dma_start3A_17 : memref<128xi32, #tpu.memory_space<hbm>>) target(%arg9 : memref<128xi32, #tpu.memory_space<vmem>>) target_semaphore(%arg19 : memref<!tpu.dma_semaphore, #tpu.memory_space<semaphore_mem>>)
    %add3A_18 = arith.constant 0 : i32
    %add3A_19 = arith.addi %mul3A_4, %add3A_18 : i32
    %dma_start3A_20 = tpu.memref_slice %arg4[%add3A_19] : memref<331776xi32, #tpu.memory_space<hbm>> -> memref<128xi32, #tpu.memory_space<hbm>>
    %dma_start3A_21 = tpu.memref_slice %arg4[%add3A_19] : memref<331776xi32, #tpu.memory_space<hbm>> -> memref<128xi32, #tpu.memory_space<hbm>>
    tpu.enqueue_dma source(%dma_start3A_21 : memref<128xi32, #tpu.memory_space<hbm>>) target(%arg10 : memref<128xi32, #tpu.memory_space<vmem>>) target_semaphore(%arg20 : memref<!tpu.dma_semaphore, #tpu.memory_space<semaphore_mem>>)
    %dma_wait3A = arith.constant 0 : i32
    %dma_wait3A_22 = tpu.memref_slice %arg3[%dma_wait3A] : memref<331776xi32, #tpu.memory_space<hbm>> -> memref<128xi32, #tpu.memory_space<hbm>>
    %dma_wait3A_23 = arith.constant 0 : i32
    %dma_wait3A_24 = tpu.memref_slice %arg3[%dma_wait3A_23] : memref<331776xi32, #tpu.memory_space<hbm>> -> memref<128xi32, #tpu.memory_space<hbm>>
    tpu.wait_dma2 semaphore(%arg17 : memref<!tpu.dma_semaphore, #tpu.memory_space<semaphore_mem>>) src(%dma_wait3A_24 : memref<128xi32, #tpu.memory_space<hbm>>) dst(%arg7 : memref<128xi32, #tpu.memory_space<vmem>>)
    %dma_start3A_25 = arith.constant 0 : i32
    %dma_start3A_26 = arith.constant 0 : i32
    %dma_start3A_27 = tpu.memref_slice %arg2[%dma_start3A_25, %dma_start3A_26] : memref<10000x128xf32, #tpu.memory_space<hbm>> -> memref<10000x128xf32, #tpu.memory_space<hbm>>
    tpu.enqueue_indirect_dma source(%dma_start3A_27 : memref<10000x128xf32, #tpu.memory_space<hbm>>) target(%arg13 : memref<128x128xf32, #tpu.memory_space<vmem>>) offsets(%arg7 : memref<128xi32, #tpu.memory_space<vmem>>) semaphore(%arg23 : memref<!tpu.dma_semaphore, #tpu.memory_space<semaphore_mem>>)
    %add3A_28 = arith.constant 128 : i32
    %add3A_29 = arith.addi %mul3A_4, %add3A_28 : i32
    %dma_start3A_30 = tpu.memref_slice %arg4[%add3A_29] : memref<331776xi32, #tpu.memory_space<hbm>> -> memref<128xi32, #tpu.memory_space<hbm>>
    %dma_start3A_31 = tpu.memref_slice %arg4[%add3A_29] : memref<331776xi32, #tpu.memory_space<hbm>> -> memref<128xi32, #tpu.memory_space<hbm>>
    tpu.enqueue_dma source(%dma_start3A_31 : memref<128xi32, #tpu.memory_space<hbm>>) target(%arg11 : memref<128xi32, #tpu.memory_space<vmem>>) target_semaphore(%arg21 : memref<!tpu.dma_semaphore, #tpu.memory_space<semaphore_mem>>)
    %dma_wait3A_32 = arith.constant 0 : i32
    %dma_wait3A_33 = tpu.memref_slice %arg3[%dma_wait3A_32] : memref<331776xi32, #tpu.memory_space<hbm>> -> memref<128xi32, #tpu.memory_space<hbm>>
    %dma_wait3A_34 = arith.constant 0 : i32
    %dma_wait3A_35 = tpu.memref_slice %arg3[%dma_wait3A_34] : memref<331776xi32, #tpu.memory_space<hbm>> -> memref<128xi32, #tpu.memory_space<hbm>>
    tpu.wait_dma2 semaphore(%arg18 : memref<!tpu.dma_semaphore, #tpu.memory_space<semaphore_mem>>) src(%dma_wait3A_35 : memref<128xi32, #tpu.memory_space<hbm>>) dst(%arg8 : memref<128xi32, #tpu.memory_space<vmem>>)
    %dma_start3A_36 = arith.constant 0 : i32
    %dma_start3A_37 = arith.constant 0 : i32
    %dma_start3A_38 = tpu.memref_slice %arg2[%dma_start3A_36, %dma_start3A_37] : memref<10000x128xf32, #tpu.memory_space<hbm>> -> memref<10000x128xf32, #tpu.memory_space<hbm>>
    tpu.enqueue_indirect_dma source(%dma_start3A_38 : memref<10000x128xf32, #tpu.memory_space<hbm>>) target(%arg14 : memref<128x128xf32, #tpu.memory_space<vmem>>) offsets(%arg8 : memref<128xi32, #tpu.memory_space<vmem>>) semaphore(%arg24 : memref<!tpu.dma_semaphore, #tpu.memory_space<semaphore_mem>>)
    %add3A_39 = arith.constant 256 : i32
    %add3A_40 = arith.addi %mul3A_4, %add3A_39 : i32
    %dma_start3A_41 = tpu.memref_slice %arg4[%add3A_40] : memref<331776xi32, #tpu.memory_space<hbm>> -> memref<128xi32, #tpu.memory_space<hbm>>
    %dma_start3A_42 = tpu.memref_slice %arg4[%add3A_40] : memref<331776xi32, #tpu.memory_space<hbm>> -> memref<128xi32, #tpu.memory_space<hbm>>
    tpu.enqueue_dma source(%dma_start3A_42 : memref<128xi32, #tpu.memory_space<hbm>>) target(%arg12 : memref<128xi32, #tpu.memory_space<vmem>>) target_semaphore(%arg22 : memref<!tpu.dma_semaphore, #tpu.memory_space<semaphore_mem>>)
    %dma_wait3A_43 = arith.constant 0 : i32
    %dma_wait3A_44 = tpu.memref_slice %arg3[%dma_wait3A_43] : memref<331776xi32, #tpu.memory_space<hbm>> -> memref<128xi32, #tpu.memory_space<hbm>>
    %dma_wait3A_45 = arith.constant 0 : i32
    %dma_wait3A_46 = tpu.memref_slice %arg3[%dma_wait3A_45] : memref<331776xi32, #tpu.memory_space<hbm>> -> memref<128xi32, #tpu.memory_space<hbm>>
    tpu.wait_dma2 semaphore(%arg19 : memref<!tpu.dma_semaphore, #tpu.memory_space<semaphore_mem>>) src(%dma_wait3A_46 : memref<128xi32, #tpu.memory_space<hbm>>) dst(%arg9 : memref<128xi32, #tpu.memory_space<vmem>>)
    %dma_start3A_47 = arith.constant 0 : i32
    %dma_start3A_48 = arith.constant 0 : i32
    %dma_start3A_49 = tpu.memref_slice %arg2[%dma_start3A_47, %dma_start3A_48] : memref<10000x128xf32, #tpu.memory_space<hbm>> -> memref<10000x128xf32, #tpu.memory_space<hbm>>
    tpu.enqueue_indirect_dma source(%dma_start3A_49 : memref<10000x128xf32, #tpu.memory_space<hbm>>) target(%arg15 : memref<128x128xf32, #tpu.memory_space<vmem>>) offsets(%arg9 : memref<128xi32, #tpu.memory_space<vmem>>) semaphore(%arg25 : memref<!tpu.dma_semaphore, #tpu.memory_space<semaphore_mem>>)
    %dma_wait3A_50 = arith.constant 0 : i32
    %dma_wait3A_51 = arith.constant 0 : i32
    %dma_wait3A_52 = tpu.memref_slice %arg2[%dma_wait3A_50, %dma_wait3A_51] : memref<10000x128xf32, #tpu.memory_space<hbm>> -> memref<128x128xf32, #tpu.memory_space<hbm>>
    %dma_wait3A_53 = arith.constant 0 : i32
    %dma_wait3A_54 = arith.constant 0 : i32
    %dma_wait3A_55 = tpu.memref_slice %arg2[%dma_wait3A_53, %dma_wait3A_54] : memref<10000x128xf32, #tpu.memory_space<hbm>> -> memref<128x128xf32, #tpu.memory_space<hbm>>
    tpu.wait_dma2 semaphore(%arg23 : memref<!tpu.dma_semaphore, #tpu.memory_space<semaphore_mem>>) src(%dma_wait3A_55 : memref<128x128xf32, #tpu.memory_space<hbm>>) dst(%arg13 : memref<128x128xf32, #tpu.memory_space<vmem>>)
    %dma_wait3A_56 = arith.constant 0 : i32
    %dma_wait3A_57 = tpu.memref_slice %arg3[%dma_wait3A_56] : memref<331776xi32, #tpu.memory_space<hbm>> -> memref<128xi32, #tpu.memory_space<hbm>>
    %dma_wait3A_58 = arith.constant 0 : i32
    %dma_wait3A_59 = tpu.memref_slice %arg3[%dma_wait3A_58] : memref<331776xi32, #tpu.memory_space<hbm>> -> memref<128xi32, #tpu.memory_space<hbm>>
    tpu.wait_dma2 semaphore(%arg20 : memref<!tpu.dma_semaphore, #tpu.memory_space<semaphore_mem>>) src(%dma_wait3A_59 : memref<128xi32, #tpu.memory_space<hbm>>) dst(%arg10 : memref<128xi32, #tpu.memory_space<vmem>>)
    %dma_start3A_60 = arith.constant 0 : i32
    %dma_start3A_61 = arith.constant 0 : i32
    %dma_start3A_62 = tpu.memref_slice %arg16[%dma_start3A_60, %dma_start3A_61] : memref<10112x128xf32, #tpu.memory_space<vmem_shared>> -> memref<10112x128xf32, #tpu.memory_space<vmem_shared>>
    tpu.enqueue_indirect_dma source(%arg13 : memref<128x128xf32, #tpu.memory_space<vmem>>) target(%dma_start3A_62 : memref<10112x128xf32, #tpu.memory_space<vmem_shared>>) offsets(%arg10 : memref<128xi32, #tpu.memory_space<vmem>>) semaphore(%arg26 : memref<!tpu.dma_semaphore, #tpu.memory_space<semaphore_mem>>) {add = true}
    %add3A_63 = arith.constant 384 : i32
    %add3A_64 = arith.addi %mul3A_4, %add3A_63 : i32
    %dma_start3A_65 = tpu.memref_slice %arg3[%add3A_64] : memref<331776xi32, #tpu.memory_space<hbm>> -> memref<128xi32, #tpu.memory_space<hbm>>
    %dma_start3A_66 = tpu.memref_slice %arg3[%add3A_64] : memref<331776xi32, #tpu.memory_space<hbm>> -> memref<128xi32, #tpu.memory_space<hbm>>
    tpu.enqueue_dma source(%dma_start3A_66 : memref<128xi32, #tpu.memory_space<hbm>>) target(%arg7 : memref<128xi32, #tpu.memory_space<vmem>>) target_semaphore(%arg17 : memref<!tpu.dma_semaphore, #tpu.memory_space<semaphore_mem>>)
    %scan3A = arith.constant 0 : i32
    %scan3A_67 = arith.constant 0 : i32
    %scan3A_68 = arith.constant 26 : i32
    %scan3A_69 = arith.addi %scan3A_67, %scan3A_68 : i32
    %scan3A_70 = arith.constant 1 : i32
    scf.for %scan3A_122 = %scan3A_67 to %scan3A_69 step %scan3A_70  : i32 {
      %mul3A_123 = arith.constant 3 : i32
      %mul3A_124 = arith.muli %mul3A_123, %scan3A_122 : i32
      %add3A_125 = arith.constant 3 : i32
      %add3A_126 = arith.addi %mul3A_124, %add3A_125 : i32
      %add3A_127 = arith.constant 0 : i32
      %add3A_128 = arith.addi %add3A_126, %add3A_127 : i32
      %dma_wait3A_129 = arith.constant 0 : i32
      %dma_wait3A_130 = arith.constant 0 : i32
      %dma_wait3A_131 = tpu.memref_slice %arg2[%dma_wait3A_129, %dma_wait3A_130] : memref<10000x128xf32, #tpu.memory_space<hbm>> -> memref<128x128xf32, #tpu.memory_space<hbm>>
      %dma_wait3A_132 = arith.constant 0 : i32
      %dma_wait3A_133 = arith.constant 0 : i32
      %dma_wait3A_134 = tpu.memref_slice %arg2[%dma_wait3A_132, %dma_wait3A_133] : memref<10000x128xf32, #tpu.memory_space<hbm>> -> memref<128x128xf32, #tpu.memory_space<hbm>>
      tpu.wait_dma2 semaphore(%arg26 : memref<!tpu.dma_semaphore, #tpu.memory_space<semaphore_mem>>) src(%dma_wait3A_134 : memref<128x128xf32, #tpu.memory_space<hbm>>) dst(%arg13 : memref<128x128xf32, #tpu.memory_space<vmem>>)
      %mul3A_135 = arith.constant 128 : i32
      %mul3A_136 = arith.muli %add3A_128, %mul3A_135 : i32
      %add3A_137 = arith.addi %mul3A_4, %mul3A_136 : i32
      %dma_start3A_138 = tpu.memref_slice %arg4[%add3A_137] : memref<331776xi32, #tpu.memory_space<hbm>> -> memref<128xi32, #tpu.memory_space<hbm>>
      %dma_start3A_139 = tpu.memref_slice %arg4[%add3A_137] : memref<331776xi32, #tpu.memory_space<hbm>> -> memref<128xi32, #tpu.memory_space<hbm>>
      tpu.enqueue_dma source(%dma_start3A_139 : memref<128xi32, #tpu.memory_space<hbm>>) target(%arg10 : memref<128xi32, #tpu.memory_space<vmem>>) target_semaphore(%arg20 : memref<!tpu.dma_semaphore, #tpu.memory_space<semaphore_mem>>)
      %dma_wait3A_140 = arith.constant 0 : i32
      %dma_wait3A_141 = tpu.memref_slice %arg3[%dma_wait3A_140] : memref<331776xi32, #tpu.memory_space<hbm>> -> memref<128xi32, #tpu.memory_space<hbm>>
      %dma_wait3A_142 = arith.constant 0 : i32
      %dma_wait3A_143 = tpu.memref_slice %arg3[%dma_wait3A_142] : memref<331776xi32, #tpu.memory_space<hbm>> -> memref<128xi32, #tpu.memory_space<hbm>>
      tpu.wait_dma2 semaphore(%arg17 : memref<!tpu.dma_semaphore, #tpu.memory_space<semaphore_mem>>) src(%dma_wait3A_143 : memref<128xi32, #tpu.memory_space<hbm>>) dst(%arg7 : memref<128xi32, #tpu.memory_space<vmem>>)
      %dma_start3A_144 = arith.constant 0 : i32
      %dma_start3A_145 = arith.constant 0 : i32
      %dma_start3A_146 = tpu.memref_slice %arg2[%dma_start3A_144, %dma_start3A_145] : memref<10000x128xf32, #tpu.memory_space<hbm>> -> memref<10000x128xf32, #tpu.memory_space<hbm>>
      tpu.enqueue_indirect_dma source(%dma_start3A_146 : memref<10000x128xf32, #tpu.memory_space<hbm>>) target(%arg13 : memref<128x128xf32, #tpu.memory_space<vmem>>) offsets(%arg7 : memref<128xi32, #tpu.memory_space<vmem>>) semaphore(%arg23 : memref<!tpu.dma_semaphore, #tpu.memory_space<semaphore_mem>>)
      %dma_wait3A_147 = arith.constant 0 : i32
      %dma_wait3A_148 = arith.constant 0 : i32
      %dma_wait3A_149 = tpu.memref_slice %arg2[%dma_wait3A_147, %dma_wait3A_148] : memref<10000x128xf32, #tpu.memory_space<hbm>> -> memref<128x128xf32, #tpu.memory_space<hbm>>
      %dma_wait3A_150 = arith.constant 0 : i32
      %dma_wait3A_151 = arith.constant 0 : i32
      %dma_wait3A_152 = tpu.memref_slice %arg2[%dma_wait3A_150, %dma_wait3A_151] : memref<10000x128xf32, #tpu.memory_space<hbm>> -> memref<128x128xf32, #tpu.memory_space<hbm>>
      tpu.wait_dma2 semaphore(%arg24 : memref<!tpu.dma_semaphore, #tpu.memory_space<semaphore_mem>>) src(%dma_wait3A_152 : memref<128x128xf32, #tpu.memory_space<hbm>>) dst(%arg14 : memref<128x128xf32, #tpu.memory_space<vmem>>)
      %dma_wait3A_153 = arith.constant 0 : i32
      %dma_wait3A_154 = tpu.memref_slice %arg3[%dma_wait3A_153] : memref<331776xi32, #tpu.memory_space<hbm>> -> memref<128xi32, #tpu.memory_space<hbm>>
      %dma_wait3A_155 = arith.constant 0 : i32
      %dma_wait3A_156 = tpu.memref_slice %arg3[%dma_wait3A_155] : memref<331776xi32, #tpu.memory_space<hbm>> -> memref<128xi32, #tpu.memory_space<hbm>>
      tpu.wait_dma2 semaphore(%arg21 : memref<!tpu.dma_semaphore, #tpu.memory_space<semaphore_mem>>) src(%dma_wait3A_156 : memref<128xi32, #tpu.memory_space<hbm>>) dst(%arg11 : memref<128xi32, #tpu.memory_space<vmem>>)
      %dma_start3A_157 = arith.constant 0 : i32
      %dma_start3A_158 = arith.constant 0 : i32
      %dma_start3A_159 = tpu.memref_slice %arg16[%dma_start3A_157, %dma_start3A_158] : memref<10112x128xf32, #tpu.memory_space<vmem_shared>> -> memref<10112x128xf32, #tpu.memory_space<vmem_shared>>
      tpu.enqueue_indirect_dma source(%arg14 : memref<128x128xf32, #tpu.memory_space<vmem>>) target(%dma_start3A_159 : memref<10112x128xf32, #tpu.memory_space<vmem_shared>>) offsets(%arg11 : memref<128xi32, #tpu.memory_space<vmem>>) semaphore(%arg27 : memref<!tpu.dma_semaphore, #tpu.memory_space<semaphore_mem>>) {add = true}
      %add3A_160 = arith.constant 1 : i32
      %add3A_161 = arith.addi %add3A_128, %add3A_160 : i32
      %mul3A_162 = arith.constant 128 : i32
      %mul3A_163 = arith.muli %add3A_161, %mul3A_162 : i32
      %add3A_164 = arith.addi %mul3A_4, %mul3A_163 : i32
      %dma_start3A_165 = tpu.memref_slice %arg3[%add3A_164] : memref<331776xi32, #tpu.memory_space<hbm>> -> memref<128xi32, #tpu.memory_space<hbm>>
      %dma_start3A_166 = tpu.memref_slice %arg3[%add3A_164] : memref<331776xi32, #tpu.memory_space<hbm>> -> memref<128xi32, #tpu.memory_space<hbm>>
      tpu.enqueue_dma source(%dma_start3A_166 : memref<128xi32, #tpu.memory_space<hbm>>) target(%arg8 : memref<128xi32, #tpu.memory_space<vmem>>) target_semaphore(%arg18 : memref<!tpu.dma_semaphore, #tpu.memory_space<semaphore_mem>>)
      %add3A_167 = arith.constant 1 : i32
      %add3A_168 = arith.addi %add3A_126, %add3A_167 : i32
      %dma_wait3A_169 = arith.constant 0 : i32
      %dma_wait3A_170 = arith.constant 0 : i32
      %dma_wait3A_171 = tpu.memref_slice %arg2[%dma_wait3A_169, %dma_wait3A_170] : memref<10000x128xf32, #tpu.memory_space<hbm>> -> memref<128x128xf32, #tpu.memory_space<hbm>>
      %dma_wait3A_172 = arith.constant 0 : i32
      %dma_wait3A_173 = arith.constant 0 : i32
      %dma_wait3A_174 = tpu.memref_slice %arg2[%dma_wait3A_172, %dma_wait3A_173] : memref<10000x128xf32, #tpu.memory_space<hbm>> -> memref<128x128xf32, #tpu.memory_space<hbm>>
      tpu.wait_dma2 semaphore(%arg27 : memref<!tpu.dma_semaphore, #tpu.memory_space<semaphore_mem>>) src(%dma_wait3A_174 : memref<128x128xf32, #tpu.memory_space<hbm>>) dst(%arg14 : memref<128x128xf32, #tpu.memory_space<vmem>>)
      %mul3A_175 = arith.constant 128 : i32
      %mul3A_176 = arith.muli %add3A_168, %mul3A_175 : i32
      %add3A_177 = arith.addi %mul3A_4, %mul3A_176 : i32
      %dma_start3A_178 = tpu.memref_slice %arg4[%add3A_177] : memref<331776xi32, #tpu.memory_space<hbm>> -> memref<128xi32, #tpu.memory_space<hbm>>
      %dma_start3A_179 = tpu.memref_slice %arg4[%add3A_177] : memref<331776xi32, #tpu.memory_space<hbm>> -> memref<128xi32, #tpu.memory_space<hbm>>
      tpu.enqueue_dma source(%dma_start3A_179 : memref<128xi32, #tpu.memory_space<hbm>>) target(%arg11 : memref<128xi32, #tpu.memory_space<vmem>>) target_semaphore(%arg21 : memref<!tpu.dma_semaphore, #tpu.memory_space<semaphore_mem>>)
      %dma_wait3A_180 = arith.constant 0 : i32
      %dma_wait3A_181 = tpu.memref_slice %arg3[%dma_wait3A_180] : memref<331776xi32, #tpu.memory_space<hbm>> -> memref<128xi32, #tpu.memory_space<hbm>>
      %dma_wait3A_182 = arith.constant 0 : i32
      %dma_wait3A_183 = tpu.memref_slice %arg3[%dma_wait3A_182] : memref<331776xi32, #tpu.memory_space<hbm>> -> memref<128xi32, #tpu.memory_space<hbm>>
      tpu.wait_dma2 semaphore(%arg18 : memref<!tpu.dma_semaphore, #tpu.memory_space<semaphore_mem>>) src(%dma_wait3A_183 : memref<128xi32, #tpu.memory_space<hbm>>) dst(%arg8 : memref<128xi32, #tpu.memory_space<vmem>>)
      %dma_start3A_184 = arith.constant 0 : i32
      %dma_start3A_185 = arith.constant 0 : i32
      %dma_start3A_186 = tpu.memref_slice %arg2[%dma_start3A_184, %dma_start3A_185] : memref<10000x128xf32, #tpu.memory_space<hbm>> -> memref<10000x128xf32, #tpu.memory_space<hbm>>
      tpu.enqueue_indirect_dma source(%dma_start3A_186 : memref<10000x128xf32, #tpu.memory_space<hbm>>) target(%arg14 : memref<128x128xf32, #tpu.memory_space<vmem>>) offsets(%arg8 : memref<128xi32, #tpu.memory_space<vmem>>) semaphore(%arg24 : memref<!tpu.dma_semaphore, #tpu.memory_space<semaphore_mem>>)
      %dma_wait3A_187 = arith.constant 0 : i32
      %dma_wait3A_188 = arith.constant 0 : i32
      %dma_wait3A_189 = tpu.memref_slice %arg2[%dma_wait3A_187, %dma_wait3A_188] : memref<10000x128xf32, #tpu.memory_space<hbm>> -> memref<128x128xf32, #tpu.memory_space<hbm>>
      %dma_wait3A_190 = arith.constant 0 : i32
      %dma_wait3A_191 = arith.constant 0 : i32
      %dma_wait3A_192 = tpu.memref_slice %arg2[%dma_wait3A_190, %dma_wait3A_191] : memref<10000x128xf32, #tpu.memory_space<hbm>> -> memref<128x128xf32, #tpu.memory_space<hbm>>
      tpu.wait_dma2 semaphore(%arg25 : memref<!tpu.dma_semaphore, #tpu.memory_space<semaphore_mem>>) src(%dma_wait3A_192 : memref<128x128xf32, #tpu.memory_space<hbm>>) dst(%arg15 : memref<128x128xf32, #tpu.memory_space<vmem>>)
      %dma_wait3A_193 = arith.constant 0 : i32
      %dma_wait3A_194 = tpu.memref_slice %arg3[%dma_wait3A_193] : memref<331776xi32, #tpu.memory_space<hbm>> -> memref<128xi32, #tpu.memory_space<hbm>>
      %dma_wait3A_195 = arith.constant 0 : i32
      %dma_wait3A_196 = tpu.memref_slice %arg3[%dma_wait3A_195] : memref<331776xi32, #tpu.memory_space<hbm>> -> memref<128xi32, #tpu.memory_space<hbm>>
      tpu.wait_dma2 semaphore(%arg22 : memref<!tpu.dma_semaphore, #tpu.memory_space<semaphore_mem>>) src(%dma_wait3A_196 : memref<128xi32, #tpu.memory_space<hbm>>) dst(%arg12 : memref<128xi32, #tpu.memory_space<vmem>>)
      %dma_start3A_197 = arith.constant 0 : i32
      %dma_start3A_198 = arith.constant 0 : i32
      %dma_start3A_199 = tpu.memref_slice %arg16[%dma_start3A_197, %dma_start3A_198] : memref<10112x128xf32, #tpu.memory_space<vmem_shared>> -> memref<10112x128xf32, #tpu.memory_space<vmem_shared>>
      tpu.enqueue_indirect_dma source(%arg15 : memref<128x128xf32, #tpu.memory_space<vmem>>) target(%dma_start3A_199 : memref<10112x128xf32, #tpu.memory_space<vmem_shared>>) offsets(%arg12 : memref<128xi32, #tpu.memory_space<vmem>>) semaphore(%arg28 : memref<!tpu.dma_semaphore, #tpu.memory_space<semaphore_mem>>) {add = true}
      %add3A_200 = arith.constant 1 : i32
      %add3A_201 = arith.addi %add3A_168, %add3A_200 : i32
      %mul3A_202 = arith.constant 128 : i32
      %mul3A_203 = arith.muli %add3A_201, %mul3A_202 : i32
      %add3A_204 = arith.addi %mul3A_4, %mul3A_203 : i32
      %dma_start3A_205 = tpu.memref_slice %arg3[%add3A_204] : memref<331776xi32, #tpu.memory_space<hbm>> -> memref<128xi32, #tpu.memory_space<hbm>>
      %dma_start3A_206 = tpu.memref_slice %arg3[%add3A_204] : memref<331776xi32, #tpu.memory_space<hbm>> -> memref<128xi32, #tpu.memory_space<hbm>>
      tpu.enqueue_dma source(%dma_start3A_206 : memref<128xi32, #tpu.memory_space<hbm>>) target(%arg9 : memref<128xi32, #tpu.memory_space<vmem>>) target_semaphore(%arg19 : memref<!tpu.dma_semaphore, #tpu.memory_space<semaphore_mem>>)
      %add3A_207 = arith.constant 2 : i32
      %add3A_208 = arith.addi %add3A_126, %add3A_207 : i32
      %dma_wait3A_209 = arith.constant 0 : i32
      %dma_wait3A_210 = arith.constant 0 : i32
      %dma_wait3A_211 = tpu.memref_slice %arg2[%dma_wait3A_209, %dma_wait3A_210] : memref<10000x128xf32, #tpu.memory_space<hbm>> -> memref<128x128xf32, #tpu.memory_space<hbm>>
      %dma_wait3A_212 = arith.constant 0 : i32
      %dma_wait3A_213 = arith.constant 0 : i32
      %dma_wait3A_214 = tpu.memref_slice %arg2[%dma_wait3A_212, %dma_wait3A_213] : memref<10000x128xf32, #tpu.memory_space<hbm>> -> memref<128x128xf32, #tpu.memory_space<hbm>>
      tpu.wait_dma2 semaphore(%arg28 : memref<!tpu.dma_semaphore, #tpu.memory_space<semaphore_mem>>) src(%dma_wait3A_214 : memref<128x128xf32, #tpu.memory_space<hbm>>) dst(%arg15 : memref<128x128xf32, #tpu.memory_space<vmem>>)
      %mul3A_215 = arith.constant 128 : i32
      %mul3A_216 = arith.muli %add3A_208, %mul3A_215 : i32
      %add3A_217 = arith.addi %mul3A_4, %mul3A_216 : i32
      %dma_start3A_218 = tpu.memref_slice %arg4[%add3A_217] : memref<331776xi32, #tpu.memory_space<hbm>> -> memref<128xi32, #tpu.memory_space<hbm>>
      %dma_start3A_219 = tpu.memref_slice %arg4[%add3A_217] : memref<331776xi32, #tpu.memory_space<hbm>> -> memref<128xi32, #tpu.memory_space<hbm>>
      tpu.enqueue_dma source(%dma_start3A_219 : memref<128xi32, #tpu.memory_space<hbm>>) target(%arg12 : memref<128xi32, #tpu.memory_space<vmem>>) target_semaphore(%arg22 : memref<!tpu.dma_semaphore, #tpu.memory_space<semaphore_mem>>)
      %dma_wait3A_220 = arith.constant 0 : i32
      %dma_wait3A_221 = tpu.memref_slice %arg3[%dma_wait3A_220] : memref<331776xi32, #tpu.memory_space<hbm>> -> memref<128xi32, #tpu.memory_space<hbm>>
      %dma_wait3A_222 = arith.constant 0 : i32
      %dma_wait3A_223 = tpu.memref_slice %arg3[%dma_wait3A_222] : memref<331776xi32, #tpu.memory_space<hbm>> -> memref<128xi32, #tpu.memory_space<hbm>>
      tpu.wait_dma2 semaphore(%arg19 : memref<!tpu.dma_semaphore, #tpu.memory_space<semaphore_mem>>) src(%dma_wait3A_223 : memref<128xi32, #tpu.memory_space<hbm>>) dst(%arg9 : memref<128xi32, #tpu.memory_space<vmem>>)
      %dma_start3A_224 = arith.constant 0 : i32
      %dma_start3A_225 = arith.constant 0 : i32
      %dma_start3A_226 = tpu.memref_slice %arg2[%dma_start3A_224, %dma_start3A_225] : memref<10000x128xf32, #tpu.memory_space<hbm>> -> memref<10000x128xf32, #tpu.memory_space<hbm>>
      tpu.enqueue_indirect_dma source(%dma_start3A_226 : memref<10000x128xf32, #tpu.memory_space<hbm>>) target(%arg15 : memref<128x128xf32, #tpu.memory_space<vmem>>) offsets(%arg9 : memref<128xi32, #tpu.memory_space<vmem>>) semaphore(%arg25 : memref<!tpu.dma_semaphore, #tpu.memory_space<semaphore_mem>>)
      %dma_wait3A_227 = arith.constant 0 : i32
      %dma_wait3A_228 = arith.constant 0 : i32
      %dma_wait3A_229 = tpu.memref_slice %arg2[%dma_wait3A_227, %dma_wait3A_228] : memref<10000x128xf32, #tpu.memory_space<hbm>> -> memref<128x128xf32, #tpu.memory_space<hbm>>
      %dma_wait3A_230 = arith.constant 0 : i32
      %dma_wait3A_231 = arith.constant 0 : i32
      %dma_wait3A_232 = tpu.memref_slice %arg2[%dma_wait3A_230, %dma_wait3A_231] : memref<10000x128xf32, #tpu.memory_space<hbm>> -> memref<128x128xf32, #tpu.memory_space<hbm>>
      tpu.wait_dma2 semaphore(%arg23 : memref<!tpu.dma_semaphore, #tpu.memory_space<semaphore_mem>>) src(%dma_wait3A_232 : memref<128x128xf32, #tpu.memory_space<hbm>>) dst(%arg13 : memref<128x128xf32, #tpu.memory_space<vmem>>)
      %dma_wait3A_233 = arith.constant 0 : i32
      %dma_wait3A_234 = tpu.memref_slice %arg3[%dma_wait3A_233] : memref<331776xi32, #tpu.memory_space<hbm>> -> memref<128xi32, #tpu.memory_space<hbm>>
      %dma_wait3A_235 = arith.constant 0 : i32
      %dma_wait3A_236 = tpu.memref_slice %arg3[%dma_wait3A_235] : memref<331776xi32, #tpu.memory_space<hbm>> -> memref<128xi32, #tpu.memory_space<hbm>>
      tpu.wait_dma2 semaphore(%arg20 : memref<!tpu.dma_semaphore, #tpu.memory_space<semaphore_mem>>) src(%dma_wait3A_236 : memref<128xi32, #tpu.memory_space<hbm>>) dst(%arg10 : memref<128xi32, #tpu.memory_space<vmem>>)
      %dma_start3A_237 = arith.constant 0 : i32
      %dma_start3A_238 = arith.constant 0 : i32
      %dma_start3A_239 = tpu.memref_slice %arg16[%dma_start3A_237, %dma_start3A_238] : memref<10112x128xf32, #tpu.memory_space<vmem_shared>> -> memref<10112x128xf32, #tpu.memory_space<vmem_shared>>
      tpu.enqueue_indirect_dma source(%arg13 : memref<128x128xf32, #tpu.memory_space<vmem>>) target(%dma_start3A_239 : memref<10112x128xf32, #tpu.memory_space<vmem_shared>>) offsets(%arg10 : memref<128xi32, #tpu.memory_space<vmem>>) semaphore(%arg26 : memref<!tpu.dma_semaphore, #tpu.memory_space<semaphore_mem>>) {add = true}
      %lt3A = arith.constant 25 : i32
      %lt3A_240 = arith.cmpi slt, %scan3A_122, %lt3A : i32
      %convert_element_type3A_241 = arith.extui %lt3A_240 : i1 to i32
      %cond3A_242 = arith.constant 0 : i32
      %cond3A_243 = arith.cmpi ne, %convert_element_type3A_241, %cond3A_242 : i32
      scf.if %cond3A_243 {
        %add3A_244 = arith.constant 1 : i32
        %add3A_245 = arith.addi %add3A_208, %add3A_244 : i32
        %mul3A_246 = arith.constant 128 : i32
        %mul3A_247 = arith.muli %add3A_245, %mul3A_246 : i32
        %add3A_248 = arith.addi %mul3A_4, %mul3A_247 : i32
        %dma_start3A_249 = tpu.memref_slice %arg3[%add3A_248] : memref<331776xi32, #tpu.memory_space<hbm>> -> memref<128xi32, #tpu.memory_space<hbm>>
        %dma_start3A_250 = tpu.memref_slice %arg3[%add3A_248] : memref<331776xi32, #tpu.memory_space<hbm>> -> memref<128xi32, #tpu.memory_space<hbm>>
        tpu.enqueue_dma source(%dma_start3A_250 : memref<128xi32, #tpu.memory_space<hbm>>) target(%arg7 : memref<128xi32, #tpu.memory_space<vmem>>) target_semaphore(%arg17 : memref<!tpu.dma_semaphore, #tpu.memory_space<semaphore_mem>>)
      } else {
      }
    }
    %scan3A_71 = arith.constant 26 : i32
    %dma_wait3A_72 = arith.constant 0 : i32
    %dma_wait3A_73 = arith.constant 0 : i32
    %dma_wait3A_74 = tpu.memref_slice %arg2[%dma_wait3A_72, %dma_wait3A_73] : memref<10000x128xf32, #tpu.memory_space<hbm>> -> memref<128x128xf32, #tpu.memory_space<hbm>>
    %dma_wait3A_75 = arith.constant 0 : i32
    %dma_wait3A_76 = arith.constant 0 : i32
    %dma_wait3A_77 = tpu.memref_slice %arg2[%dma_wait3A_75, %dma_wait3A_76] : memref<10000x128xf32, #tpu.memory_space<hbm>> -> memref<128x128xf32, #tpu.memory_space<hbm>>
    tpu.wait_dma2 semaphore(%arg24 : memref<!tpu.dma_semaphore, #tpu.memory_space<semaphore_mem>>) src(%dma_wait3A_77 : memref<128x128xf32, #tpu.memory_space<hbm>>) dst(%arg14 : memref<128x128xf32, #tpu.memory_space<vmem>>)
    %dma_wait3A_78 = arith.constant 0 : i32
    %dma_wait3A_79 = tpu.memref_slice %arg3[%dma_wait3A_78] : memref<331776xi32, #tpu.memory_space<hbm>> -> memref<128xi32, #tpu.memory_space<hbm>>
    %dma_wait3A_80 = arith.constant 0 : i32
    %dma_wait3A_81 = tpu.memref_slice %arg3[%dma_wait3A_80] : memref<331776xi32, #tpu.memory_space<hbm>> -> memref<128xi32, #tpu.memory_space<hbm>>
    tpu.wait_dma2 semaphore(%arg21 : memref<!tpu.dma_semaphore, #tpu.memory_space<semaphore_mem>>) src(%dma_wait3A_81 : memref<128xi32, #tpu.memory_space<hbm>>) dst(%arg11 : memref<128xi32, #tpu.memory_space<vmem>>)
    %dma_start3A_82 = arith.constant 0 : i32
    %dma_start3A_83 = arith.constant 0 : i32
    %dma_start3A_84 = tpu.memref_slice %arg16[%dma_start3A_82, %dma_start3A_83] : memref<10112x128xf32, #tpu.memory_space<vmem_shared>> -> memref<10112x128xf32, #tpu.memory_space<vmem_shared>>
    tpu.enqueue_indirect_dma source(%arg14 : memref<128x128xf32, #tpu.memory_space<vmem>>) target(%dma_start3A_84 : memref<10112x128xf32, #tpu.memory_space<vmem_shared>>) offsets(%arg11 : memref<128xi32, #tpu.memory_space<vmem>>) semaphore(%arg27 : memref<!tpu.dma_semaphore, #tpu.memory_space<semaphore_mem>>) {add = true}
    %dma_wait3A_85 = arith.constant 0 : i32
    %dma_wait3A_86 = arith.constant 0 : i32
    %dma_wait3A_87 = tpu.memref_slice %arg2[%dma_wait3A_85, %dma_wait3A_86] : memref<10000x128xf32, #tpu.memory_space<hbm>> -> memref<128x128xf32, #tpu.memory_space<hbm>>
    %dma_wait3A_88 = arith.constant 0 : i32
    %dma_wait3A_89 = arith.constant 0 : i32
    %dma_wait3A_90 = tpu.memref_slice %arg2[%dma_wait3A_88, %dma_wait3A_89] : memref<10000x128xf32, #tpu.memory_space<hbm>> -> memref<128x128xf32, #tpu.memory_space<hbm>>
    tpu.wait_dma2 semaphore(%arg25 : memref<!tpu.dma_semaphore, #tpu.memory_space<semaphore_mem>>) src(%dma_wait3A_90 : memref<128x128xf32, #tpu.memory_space<hbm>>) dst(%arg15 : memref<128x128xf32, #tpu.memory_space<vmem>>)
    %dma_wait3A_91 = arith.constant 0 : i32
    %dma_wait3A_92 = tpu.memref_slice %arg3[%dma_wait3A_91] : memref<331776xi32, #tpu.memory_space<hbm>> -> memref<128xi32, #tpu.memory_space<hbm>>
    %dma_wait3A_93 = arith.constant 0 : i32
    %dma_wait3A_94 = tpu.memref_slice %arg3[%dma_wait3A_93] : memref<331776xi32, #tpu.memory_space<hbm>> -> memref<128xi32, #tpu.memory_space<hbm>>
    tpu.wait_dma2 semaphore(%arg22 : memref<!tpu.dma_semaphore, #tpu.memory_space<semaphore_mem>>) src(%dma_wait3A_94 : memref<128xi32, #tpu.memory_space<hbm>>) dst(%arg12 : memref<128xi32, #tpu.memory_space<vmem>>)
    %dma_start3A_95 = arith.constant 0 : i32
    %dma_start3A_96 = arith.constant 0 : i32
    %dma_start3A_97 = tpu.memref_slice %arg16[%dma_start3A_95, %dma_start3A_96] : memref<10112x128xf32, #tpu.memory_space<vmem_shared>> -> memref<10112x128xf32, #tpu.memory_space<vmem_shared>>
    tpu.enqueue_indirect_dma source(%arg15 : memref<128x128xf32, #tpu.memory_space<vmem>>) target(%dma_start3A_97 : memref<10112x128xf32, #tpu.memory_space<vmem_shared>>) offsets(%arg12 : memref<128xi32, #tpu.memory_space<vmem>>) semaphore(%arg28 : memref<!tpu.dma_semaphore, #tpu.memory_space<semaphore_mem>>) {add = true}
    %dma_wait3A_98 = arith.constant 0 : i32
    %dma_wait3A_99 = arith.constant 0 : i32
    %dma_wait3A_100 = tpu.memref_slice %arg2[%dma_wait3A_98, %dma_wait3A_99] : memref<10000x128xf32, #tpu.memory_space<hbm>> -> memref<128x128xf32, #tpu.memory_space<hbm>>
    %dma_wait3A_101 = arith.constant 0 : i32
    %dma_wait3A_102 = arith.constant 0 : i32
    %dma_wait3A_103 = tpu.memref_slice %arg2[%dma_wait3A_101, %dma_wait3A_102] : memref<10000x128xf32, #tpu.memory_space<hbm>> -> memref<128x128xf32, #tpu.memory_space<hbm>>
    tpu.wait_dma2 semaphore(%arg26 : memref<!tpu.dma_semaphore, #tpu.memory_space<semaphore_mem>>) src(%dma_wait3A_103 : memref<128x128xf32, #tpu.memory_space<hbm>>) dst(%arg13 : memref<128x128xf32, #tpu.memory_space<vmem>>)
    %dma_wait3A_104 = arith.constant 0 : i32
    %dma_wait3A_105 = arith.constant 0 : i32
    %dma_wait3A_106 = tpu.memref_slice %arg2[%dma_wait3A_104, %dma_wait3A_105] : memref<10000x128xf32, #tpu.memory_space<hbm>> -> memref<128x128xf32, #tpu.memory_space<hbm>>
    %dma_wait3A_107 = arith.constant 0 : i32
    %dma_wait3A_108 = arith.constant 0 : i32
    %dma_wait3A_109 = tpu.memref_slice %arg2[%dma_wait3A_107, %dma_wait3A_108] : memref<10000x128xf32, #tpu.memory_space<hbm>> -> memref<128x128xf32, #tpu.memory_space<hbm>>
    tpu.wait_dma2 semaphore(%arg27 : memref<!tpu.dma_semaphore, #tpu.memory_space<semaphore_mem>>) src(%dma_wait3A_109 : memref<128x128xf32, #tpu.memory_space<hbm>>) dst(%arg14 : memref<128x128xf32, #tpu.memory_space<vmem>>)
    %dma_wait3A_110 = arith.constant 0 : i32
    %dma_wait3A_111 = arith.constant 0 : i32
    %dma_wait3A_112 = tpu.memref_slice %arg2[%dma_wait3A_110, %dma_wait3A_111] : memref<10000x128xf32, #tpu.memory_space<hbm>> -> memref<128x128xf32, #tpu.memory_space<hbm>>
    %dma_wait3A_113 = arith.constant 0 : i32
    %dma_wait3A_114 = arith.constant 0 : i32
    %dma_wait3A_115 = tpu.memref_slice %arg2[%dma_wait3A_113, %dma_wait3A_114] : memref<10000x128xf32, #tpu.memory_space<hbm>> -> memref<128x128xf32, #tpu.memory_space<hbm>>
    tpu.wait_dma2 semaphore(%arg28 : memref<!tpu.dma_semaphore, #tpu.memory_space<semaphore_mem>>) src(%dma_wait3A_115 : memref<128x128xf32, #tpu.memory_space<hbm>>) dst(%arg15 : memref<128x128xf32, #tpu.memory_space<vmem>>)
    %barrier3A_116 = arith.constant 0 : index
    tpu.barrier barrier_id(%barrier3A_116)
    "tpu.region"() ({
      %run_scoped3A = tpu.sem_alloc : memref<!tpu.dma_semaphore, #tpu.memory_space<semaphore_mem>>
      %dma_start3A_122 = arith.constant 0 : i32
      %dma_start3A_123 = tpu.memref_slice %arg6[%arg0, %mul3A_2, %dma_start3A_122] : memref<2x10000x128xf32, #tpu.memory_space<hbm>> -> memref<1x624x128xf32, #tpu.memory_space<hbm>>
      %dma_start3A_124 = tpu.memref_squeeze %dma_start3A_123 : memref<1x624x128xf32, #tpu.memory_space<hbm>> -> memref<624x128xf32, #tpu.memory_space<hbm>>
      %dma_start3A_125 = arith.constant 0 : i32
      %dma_start3A_126 = tpu.memref_slice %arg16[%mul3A_2, %dma_start3A_125] : memref<10112x128xf32, #tpu.memory_space<vmem_shared>> -> memref<624x128xf32, #tpu.memory_space<vmem_shared>>
      tpu.enqueue_dma source(%dma_start3A_126 : memref<624x128xf32, #tpu.memory_space<vmem_shared>>) target(%dma_start3A_124 : memref<624x128xf32, #tpu.memory_space<hbm>>) target_semaphore(%run_scoped3A : memref<!tpu.dma_semaphore, #tpu.memory_space<semaphore_mem>>)
      %dma_wait3A_127 = arith.constant 0 : i32
      %dma_wait3A_128 = tpu.memref_slice %arg6[%arg0, %mul3A_2, %dma_wait3A_127] : memref<2x10000x128xf32, #tpu.memory_space<hbm>> -> memref<1x624x128xf32, #tpu.memory_space<hbm>>
      %dma_wait3A_129 = tpu.memref_squeeze %dma_wait3A_128 : memref<1x624x128xf32, #tpu.memory_space<hbm>> -> memref<624x128xf32, #tpu.memory_space<hbm>>
      %dma_wait3A_130 = arith.constant 0 : i32
      %dma_wait3A_131 = tpu.memref_slice %arg16[%mul3A_2, %dma_wait3A_130] : memref<10112x128xf32, #tpu.memory_space<vmem_shared>> -> memref<624x128xf32, #tpu.memory_space<vmem_shared>>
      tpu.wait_dma2 semaphore(%run_scoped3A : memref<!tpu.dma_semaphore, #tpu.memory_space<semaphore_mem>>) src(%dma_wait3A_131 : memref<624x128xf32, #tpu.memory_space<vmem_shared>>) dst(%dma_wait3A_129 : memref<624x128xf32, #tpu.memory_space<hbm>>)
      tpu.yield
    }) : () -> ()
    %eq3A_117 = arith.constant 15 : i32
    %eq3A_118 = arith.cmpi eq, %arg1, %eq3A_117 : i32
    %convert_element_type3A_119 = arith.extui %eq3A_118 : i1 to i32
    %cond3A_120 = arith.constant 0 : i32
    %cond3A_121 = arith.cmpi ne, %convert_element_type3A_119, %cond3A_120 : i32
    scf.if %cond3A_121 {
      "tpu.region"() ({
        %run_scoped3A = tpu.sem_alloc : memref<!tpu.dma_semaphore, #tpu.memory_space<semaphore_mem>>
        %dma_start3A_122 = arith.constant 9984 : i32
        %dma_start3A_123 = arith.constant 0 : i32
        %dma_start3A_124 = tpu.memref_slice %arg6[%arg0, %dma_start3A_122, %dma_start3A_123] : memref<2x10000x128xf32, #tpu.memory_space<hbm>> -> memref<1x16x128xf32, #tpu.memory_space<hbm>>
        %dma_start3A_125 = tpu.memref_squeeze %dma_start3A_124 : memref<1x16x128xf32, #tpu.memory_space<hbm>> -> memref<16x128xf32, #tpu.memory_space<hbm>>
        %dma_start3A_126 = arith.constant 9984 : i32
        %dma_start3A_127 = arith.constant 0 : i32
        %dma_start3A_128 = tpu.memref_slice %arg16[%dma_start3A_126, %dma_start3A_127] : memref<10112x128xf32, #tpu.memory_space<vmem_shared>> -> memref<16x128xf32, #tpu.memory_space<vmem_shared>>
        tpu.enqueue_dma source(%dma_start3A_128 : memref<16x128xf32, #tpu.memory_space<vmem_shared>>) target(%dma_start3A_125 : memref<16x128xf32, #tpu.memory_space<hbm>>) target_semaphore(%run_scoped3A : memref<!tpu.dma_semaphore, #tpu.memory_space<semaphore_mem>>)
        %dma_wait3A_129 = arith.constant 9984 : i32
        %dma_wait3A_130 = arith.constant 0 : i32
        %dma_wait3A_131 = tpu.memref_slice %arg6[%arg0, %dma_wait3A_129, %dma_wait3A_130] : memref<2x10000x128xf32, #tpu.memory_space<hbm>> -> memref<1x16x128xf32, #tpu.memory_space<hbm>>
        %dma_wait3A_132 = tpu.memref_squeeze %dma_wait3A_131 : memref<1x16x128xf32, #tpu.memory_space<hbm>> -> memref<16x128xf32, #tpu.memory_space<hbm>>
        %dma_wait3A_133 = arith.constant 9984 : i32
        %dma_wait3A_134 = arith.constant 0 : i32
        %dma_wait3A_135 = tpu.memref_slice %arg16[%dma_wait3A_133, %dma_wait3A_134] : memref<10112x128xf32, #tpu.memory_space<vmem_shared>> -> memref<16x128xf32, #tpu.memory_space<vmem_shared>>
        tpu.wait_dma2 semaphore(%run_scoped3A : memref<!tpu.dma_semaphore, #tpu.memory_space<semaphore_mem>>) src(%dma_wait3A_135 : memref<16x128xf32, #tpu.memory_space<vmem_shared>>) dst(%dma_wait3A_132 : memref<16x128xf32, #tpu.memory_space<hbm>>)
        tpu.yield
      }) : () -> ()
    } else {
    }
    return
  }
}

#map = affine_map<(d0, d1) -> (0, 0)>
#map1 = affine_map<(d0, d1) -> (0, 0, 0)>
module attributes {stable_mosaic.version = 14 : i64} {
  func.func @_deg_pass(%arg0: i32, %arg1: i32, %arg2: memref<2560x128xi32, #tpu.memory_space<hbm>>, %arg3: memref<10000x128xf32, #tpu.memory_space<hbm>>, %arg4: memref<128x128xf32, #tpu.memory_space<hbm>>, %arg5: memref<2x10000x128xf32, #tpu.memory_space<hbm>>, %arg6: memref<80x128xi32, #tpu.memory_space<vmem>>, %arg7: memref<128x128xf32, #tpu.memory_space<vmem>>, %arg8: memref<10112x128xf32, #tpu.memory_space<vmem_shared>>, %arg9: memref<!tpu.dma_semaphore, #tpu.memory_space<semaphore_mem>>, %arg10: memref<!tpu.dma_semaphore, #tpu.memory_space<semaphore_mem>>) attributes {dimension_semantics = [#tpu.dimension_semantics<core_parallel>, #tpu.dimension_semantics<subcore_parallel>], iteration_bounds = array<i64: 2, 16>, scalar_prefetch = 0 : i64, scratch_operands = 5 : i64, tpu.core_type = #tpu.core_type<sc_vector_subcore>, window_params = [{transform_indices = #map}, {transform_indices = #map}, {transform_indices = #map}, {transform_indices = #map1}]} {
    %mul3A = arith.constant 16 : i32
    %mul3A_0 = arith.muli %arg0, %mul3A : i32
    %add3A = arith.addi %mul3A_0, %arg1 : i32
    %mul3A_1 = arith.constant 624 : i32
    %mul3A_2 = arith.muli %arg1, %mul3A_1 : i32
    "tpu.region"() ({
      %run_scoped3A = tpu.sem_alloc : memref<!tpu.dma_semaphore, #tpu.memory_space<semaphore_mem>>
      %dma_start3A = arith.constant 0 : i32
      %dma_start3A_29 = tpu.memref_slice %arg8[%mul3A_2, %dma_start3A] : memref<10112x128xf32, #tpu.memory_space<vmem_shared>> -> memref<624x128xf32, #tpu.memory_space<vmem_shared>>
      %dma_start3A_30 = arith.constant 0 : i32
      %dma_start3A_31 = tpu.memref_slice %arg3[%mul3A_2, %dma_start3A_30] : memref<10000x128xf32, #tpu.memory_space<hbm>> -> memref<624x128xf32, #tpu.memory_space<hbm>>
      tpu.enqueue_dma source(%dma_start3A_31 : memref<624x128xf32, #tpu.memory_space<hbm>>) target(%dma_start3A_29 : memref<624x128xf32, #tpu.memory_space<vmem_shared>>) target_semaphore(%run_scoped3A : memref<!tpu.dma_semaphore, #tpu.memory_space<semaphore_mem>>)
      %dma_wait3A_32 = arith.constant 0 : i32
      %dma_wait3A_33 = tpu.memref_slice %arg8[%mul3A_2, %dma_wait3A_32] : memref<10112x128xf32, #tpu.memory_space<vmem_shared>> -> memref<624x128xf32, #tpu.memory_space<vmem_shared>>
      %dma_wait3A_34 = arith.constant 0 : i32
      %dma_wait3A_35 = tpu.memref_slice %arg3[%mul3A_2, %dma_wait3A_34] : memref<10000x128xf32, #tpu.memory_space<hbm>> -> memref<624x128xf32, #tpu.memory_space<hbm>>
      tpu.wait_dma2 semaphore(%run_scoped3A : memref<!tpu.dma_semaphore, #tpu.memory_space<semaphore_mem>>) src(%dma_wait3A_35 : memref<624x128xf32, #tpu.memory_space<hbm>>) dst(%dma_wait3A_33 : memref<624x128xf32, #tpu.memory_space<vmem_shared>>)
      tpu.yield
    }) : () -> ()
    %eq3A = arith.constant 15 : i32
    %eq3A_3 = arith.cmpi eq, %arg1, %eq3A : i32
    %convert_element_type3A = arith.extui %eq3A_3 : i1 to i32
    %cond3A = arith.constant 0 : i32
    %cond3A_4 = arith.cmpi ne, %convert_element_type3A, %cond3A : i32
    scf.if %cond3A_4 {
      "tpu.region"() ({
        %run_scoped3A = tpu.sem_alloc : memref<!tpu.dma_semaphore, #tpu.memory_space<semaphore_mem>>
        %dma_start3A = arith.constant 9984 : i32
        %dma_start3A_29 = arith.constant 0 : i32
        %dma_start3A_30 = tpu.memref_slice %arg8[%dma_start3A, %dma_start3A_29] : memref<10112x128xf32, #tpu.memory_space<vmem_shared>> -> memref<16x128xf32, #tpu.memory_space<vmem_shared>>
        %dma_start3A_31 = arith.constant 9984 : i32
        %dma_start3A_32 = arith.constant 0 : i32
        %dma_start3A_33 = tpu.memref_slice %arg3[%dma_start3A_31, %dma_start3A_32] : memref<10000x128xf32, #tpu.memory_space<hbm>> -> memref<16x128xf32, #tpu.memory_space<hbm>>
        tpu.enqueue_dma source(%dma_start3A_33 : memref<16x128xf32, #tpu.memory_space<hbm>>) target(%dma_start3A_30 : memref<16x128xf32, #tpu.memory_space<vmem_shared>>) target_semaphore(%run_scoped3A : memref<!tpu.dma_semaphore, #tpu.memory_space<semaphore_mem>>)
        %dma_wait3A_34 = arith.constant 9984 : i32
        %dma_wait3A_35 = arith.constant 0 : i32
        %dma_wait3A_36 = tpu.memref_slice %arg8[%dma_wait3A_34, %dma_wait3A_35] : memref<10112x128xf32, #tpu.memory_space<vmem_shared>> -> memref<16x128xf32, #tpu.memory_space<vmem_shared>>
        %dma_wait3A_37 = arith.constant 9984 : i32
        %dma_wait3A_38 = arith.constant 0 : i32
        %dma_wait3A_39 = tpu.memref_slice %arg3[%dma_wait3A_37, %dma_wait3A_38] : memref<10000x128xf32, #tpu.memory_space<hbm>> -> memref<16x128xf32, #tpu.memory_space<hbm>>
        tpu.wait_dma2 semaphore(%run_scoped3A : memref<!tpu.dma_semaphore, #tpu.memory_space<semaphore_mem>>) src(%dma_wait3A_39 : memref<16x128xf32, #tpu.memory_space<hbm>>) dst(%dma_wait3A_36 : memref<16x128xf32, #tpu.memory_space<vmem_shared>>)
        tpu.yield
      }) : () -> ()
    } else {
    }
    "tpu.region"() ({
      %run_scoped3A = tpu.sem_alloc : memref<!tpu.dma_semaphore, #tpu.memory_space<semaphore_mem>>
      tpu.enqueue_dma source(%arg4 : memref<128x128xf32, #tpu.memory_space<hbm>>) target(%arg7 : memref<128x128xf32, #tpu.memory_space<vmem>>) target_semaphore(%run_scoped3A : memref<!tpu.dma_semaphore, #tpu.memory_space<semaphore_mem>>)
      tpu.wait_dma2 semaphore(%run_scoped3A : memref<!tpu.dma_semaphore, #tpu.memory_space<semaphore_mem>>) src(%arg4 : memref<128x128xf32, #tpu.memory_space<hbm>>) dst(%arg7 : memref<128x128xf32, #tpu.memory_space<vmem>>)
      tpu.yield
    }) : () -> ()
    %mul3A_5 = arith.constant 80 : i32
    %mul3A_6 = arith.muli %add3A, %mul3A_5 : i32
    "tpu.region"() ({
      %run_scoped3A = tpu.sem_alloc : memref<!tpu.dma_semaphore, #tpu.memory_space<semaphore_mem>>
      %dma_start3A = arith.constant 0 : i32
      %dma_start3A_29 = tpu.memref_slice %arg2[%mul3A_6, %dma_start3A] : memref<2560x128xi32, #tpu.memory_space<hbm>> -> memref<80x128xi32, #tpu.memory_space<hbm>>
      %dma_start3A_30 = arith.constant 0 : i32
      %dma_start3A_31 = tpu.memref_slice %arg2[%mul3A_6, %dma_start3A_30] : memref<2560x128xi32, #tpu.memory_space<hbm>> -> memref<80x128xi32, #tpu.memory_space<hbm>>
      tpu.enqueue_dma source(%dma_start3A_31 : memref<80x128xi32, #tpu.memory_space<hbm>>) target(%arg6 : memref<80x128xi32, #tpu.memory_space<vmem>>) target_semaphore(%run_scoped3A : memref<!tpu.dma_semaphore, #tpu.memory_space<semaphore_mem>>)
      %dma_wait3A_32 = arith.constant 0 : i32
      %dma_wait3A_33 = tpu.memref_slice %arg2[%mul3A_6, %dma_wait3A_32] : memref<2560x128xi32, #tpu.memory_space<hbm>> -> memref<80x128xi32, #tpu.memory_space<hbm>>
      %dma_wait3A_34 = arith.constant 0 : i32
      %dma_wait3A_35 = tpu.memref_slice %arg2[%mul3A_6, %dma_wait3A_34] : memref<2560x128xi32, #tpu.memory_space<hbm>> -> memref<80x128xi32, #tpu.memory_space<hbm>>
      tpu.wait_dma2 semaphore(%run_scoped3A : memref<!tpu.dma_semaphore, #tpu.memory_space<semaphore_mem>>) src(%dma_wait3A_35 : memref<80x128xi32, #tpu.memory_space<hbm>>) dst(%arg6 : memref<80x128xi32, #tpu.memory_space<vmem>>)
      tpu.yield
    }) : () -> ()
    %barrier3A = arith.constant 0 : index
    tpu.barrier barrier_id(%barrier3A)
    %scan3A = arith.constant 0 : i32
    %scan3A_7 = arith.constant 0 : i32
    %scan3A_8 = arith.constant 40 : i32
    %scan3A_9 = arith.addi %scan3A_7, %scan3A_8 : i32
    %scan3A_10 = arith.constant 1 : i32
    scf.for %scan3A_29 = %scan3A_7 to %scan3A_9 step %scan3A_10  : i32 {
      %gt3A = arith.constant 0 : i32
      %gt3A_30 = arith.cmpi sgt, %scan3A_29, %gt3A : i32
      %convert_element_type3A_31 = arith.extui %gt3A_30 : i1 to i32
      %cond3A_32 = arith.constant 0 : i32
      %cond3A_33 = arith.cmpi ne, %convert_element_type3A_31, %cond3A_32 : i32
      scf.if %cond3A_33 {
        %dma_wait3A_56 = arith.constant 0 : i32
        %dma_wait3A_57 = arith.constant 0 : i32
        %dma_wait3A_58 = tpu.memref_slice %arg3[%dma_wait3A_56, %dma_wait3A_57] : memref<10000x128xf32, #tpu.memory_space<hbm>> -> memref<128x128xf32, #tpu.memory_space<hbm>>
        %dma_wait3A_59 = arith.constant 0 : i32
        %dma_wait3A_60 = arith.constant 0 : i32
        %dma_wait3A_61 = tpu.memref_slice %arg3[%dma_wait3A_59, %dma_wait3A_60] : memref<10000x128xf32, #tpu.memory_space<hbm>> -> memref<128x128xf32, #tpu.memory_space<hbm>>
        tpu.wait_dma2 semaphore(%arg9 : memref<!tpu.dma_semaphore, #tpu.memory_space<semaphore_mem>>) src(%dma_wait3A_61 : memref<128x128xf32, #tpu.memory_space<hbm>>) dst(%arg7 : memref<128x128xf32, #tpu.memory_space<vmem>>)
      } else {
      }
      %mul3A_34 = arith.constant 2 : i32
      %mul3A_35 = arith.muli %mul3A_34, %scan3A_29 : i32
      %dma_start3A = arith.constant 0 : i32
      %dma_start3A_36 = tpu.memref_slice %arg6[%mul3A_35, %dma_start3A] : memref<80x128xi32, #tpu.memory_space<vmem>> -> memref<1x128xi32, #tpu.memory_space<vmem>>
      %dma_start3A_37 = tpu.memref_squeeze %dma_start3A_36 : memref<1x128xi32, #tpu.memory_space<vmem>> -> memref<128xi32, #tpu.memory_space<vmem>>
      %dma_start3A_38 = arith.constant 0 : i32
      %dma_start3A_39 = arith.constant 0 : i32
      %dma_start3A_40 = tpu.memref_slice %arg8[%dma_start3A_38, %dma_start3A_39] : memref<10112x128xf32, #tpu.memory_space<vmem_shared>> -> memref<10112x128xf32, #tpu.memory_space<vmem_shared>>
      tpu.enqueue_indirect_dma source(%arg7 : memref<128x128xf32, #tpu.memory_space<vmem>>) target(%dma_start3A_40 : memref<10112x128xf32, #tpu.memory_space<vmem_shared>>) offsets(%dma_start3A_37 : memref<128xi32, #tpu.memory_space<vmem>>) semaphore(%arg9 : memref<!tpu.dma_semaphore, #tpu.memory_space<semaphore_mem>>) {add = true}
      %gt3A_41 = arith.constant 0 : i32
      %gt3A_42 = arith.cmpi sgt, %scan3A_29, %gt3A_41 : i32
      %convert_element_type3A_43 = arith.extui %gt3A_42 : i1 to i32
      %cond3A_44 = arith.constant 0 : i32
      %cond3A_45 = arith.cmpi ne, %convert_element_type3A_43, %cond3A_44 : i32
      scf.if %cond3A_45 {
        %dma_wait3A_56 = arith.constant 0 : i32
        %dma_wait3A_57 = arith.constant 0 : i32
        %dma_wait3A_58 = tpu.memref_slice %arg3[%dma_wait3A_56, %dma_wait3A_57] : memref<10000x128xf32, #tpu.memory_space<hbm>> -> memref<128x128xf32, #tpu.memory_space<hbm>>
        %dma_wait3A_59 = arith.constant 0 : i32
        %dma_wait3A_60 = arith.constant 0 : i32
        %dma_wait3A_61 = tpu.memref_slice %arg3[%dma_wait3A_59, %dma_wait3A_60] : memref<10000x128xf32, #tpu.memory_space<hbm>> -> memref<128x128xf32, #tpu.memory_space<hbm>>
        tpu.wait_dma2 semaphore(%arg10 : memref<!tpu.dma_semaphore, #tpu.memory_space<semaphore_mem>>) src(%dma_wait3A_61 : memref<128x128xf32, #tpu.memory_space<hbm>>) dst(%arg7 : memref<128x128xf32, #tpu.memory_space<vmem>>)
      } else {
      }
      %mul3A_46 = arith.constant 2 : i32
      %mul3A_47 = arith.muli %mul3A_46, %scan3A_29 : i32
      %add3A_48 = arith.constant 1 : i32
      %add3A_49 = arith.addi %mul3A_47, %add3A_48 : i32
      %dma_start3A_50 = arith.constant 0 : i32
      %dma_start3A_51 = tpu.memref_slice %arg6[%add3A_49, %dma_start3A_50] : memref<80x128xi32, #tpu.memory_space<vmem>> -> memref<1x128xi32, #tpu.memory_space<vmem>>
      %dma_start3A_52 = tpu.memref_squeeze %dma_start3A_51 : memref<1x128xi32, #tpu.memory_space<vmem>> -> memref<128xi32, #tpu.memory_space<vmem>>
      %dma_start3A_53 = arith.constant 0 : i32
      %dma_start3A_54 = arith.constant 0 : i32
      %dma_start3A_55 = tpu.memref_slice %arg8[%dma_start3A_53, %dma_start3A_54] : memref<10112x128xf32, #tpu.memory_space<vmem_shared>> -> memref<10112x128xf32, #tpu.memory_space<vmem_shared>>
      tpu.enqueue_indirect_dma source(%arg7 : memref<128x128xf32, #tpu.memory_space<vmem>>) target(%dma_start3A_55 : memref<10112x128xf32, #tpu.memory_space<vmem_shared>>) offsets(%dma_start3A_52 : memref<128xi32, #tpu.memory_space<vmem>>) semaphore(%arg10 : memref<!tpu.dma_semaphore, #tpu.memory_space<semaphore_mem>>) {add = true}
    }
    %scan3A_11 = arith.constant 40 : i32
    %dma_wait3A = arith.constant 0 : i32
    %dma_wait3A_12 = arith.constant 0 : i32
    %dma_wait3A_13 = tpu.memref_slice %arg3[%dma_wait3A, %dma_wait3A_12] : memref<10000x128xf32, #tpu.memory_space<hbm>> -> memref<128x128xf32, #tpu.memory_space<hbm>>
    %dma_wait3A_14 = arith.constant 0 : i32
    %dma_wait3A_15 = arith.constant 0 : i32
    %dma_wait3A_16 = tpu.memref_slice %arg3[%dma_wait3A_14, %dma_wait3A_15] : memref<10000x128xf32, #tpu.memory_space<hbm>> -> memref<128x128xf32, #tpu.memory_space<hbm>>
    tpu.wait_dma2 semaphore(%arg9 : memref<!tpu.dma_semaphore, #tpu.memory_space<semaphore_mem>>) src(%dma_wait3A_16 : memref<128x128xf32, #tpu.memory_space<hbm>>) dst(%arg7 : memref<128x128xf32, #tpu.memory_space<vmem>>)
    %dma_wait3A_17 = arith.constant 0 : i32
    %dma_wait3A_18 = arith.constant 0 : i32
    %dma_wait3A_19 = tpu.memref_slice %arg3[%dma_wait3A_17, %dma_wait3A_18] : memref<10000x128xf32, #tpu.memory_space<hbm>> -> memref<128x128xf32, #tpu.memory_space<hbm>>
    %dma_wait3A_20 = arith.constant 0 : i32
    %dma_wait3A_21 = arith.constant 0 : i32
    %dma_wait3A_22 = tpu.memref_slice %arg3[%dma_wait3A_20, %dma_wait3A_21] : memref<10000x128xf32, #tpu.memory_space<hbm>> -> memref<128x128xf32, #tpu.memory_space<hbm>>
    tpu.wait_dma2 semaphore(%arg10 : memref<!tpu.dma_semaphore, #tpu.memory_space<semaphore_mem>>) src(%dma_wait3A_22 : memref<128x128xf32, #tpu.memory_space<hbm>>) dst(%arg7 : memref<128x128xf32, #tpu.memory_space<vmem>>)
    %barrier3A_23 = arith.constant 0 : index
    tpu.barrier barrier_id(%barrier3A_23)
    "tpu.region"() ({
      %run_scoped3A = tpu.sem_alloc : memref<!tpu.dma_semaphore, #tpu.memory_space<semaphore_mem>>
      %dma_start3A = arith.constant 0 : i32
      %dma_start3A_29 = tpu.memref_slice %arg5[%arg0, %mul3A_2, %dma_start3A] : memref<2x10000x128xf32, #tpu.memory_space<hbm>> -> memref<1x624x128xf32, #tpu.memory_space<hbm>>
      %dma_start3A_30 = tpu.memref_squeeze %dma_start3A_29 : memref<1x624x128xf32, #tpu.memory_space<hbm>> -> memref<624x128xf32, #tpu.memory_space<hbm>>
      %dma_start3A_31 = arith.constant 0 : i32
      %dma_start3A_32 = tpu.memref_slice %arg8[%mul3A_2, %dma_start3A_31] : memref<10112x128xf32, #tpu.memory_space<vmem_shared>> -> memref<624x128xf32, #tpu.memory_space<vmem_shared>>
      tpu.enqueue_dma source(%dma_start3A_32 : memref<624x128xf32, #tpu.memory_space<vmem_shared>>) target(%dma_start3A_30 : memref<624x128xf32, #tpu.memory_space<hbm>>) target_semaphore(%run_scoped3A : memref<!tpu.dma_semaphore, #tpu.memory_space<semaphore_mem>>)
      %dma_wait3A_33 = arith.constant 0 : i32
      %dma_wait3A_34 = tpu.memref_slice %arg5[%arg0, %mul3A_2, %dma_wait3A_33] : memref<2x10000x128xf32, #tpu.memory_space<hbm>> -> memref<1x624x128xf32, #tpu.memory_space<hbm>>
      %dma_wait3A_35 = tpu.memref_squeeze %dma_wait3A_34 : memref<1x624x128xf32, #tpu.memory_space<hbm>> -> memref<624x128xf32, #tpu.memory_space<hbm>>
      %dma_wait3A_36 = arith.constant 0 : i32
      %dma_wait3A_37 = tpu.memref_slice %arg8[%mul3A_2, %dma_wait3A_36] : memref<10112x128xf32, #tpu.memory_space<vmem_shared>> -> memref<624x128xf32, #tpu.memory_space<vmem_shared>>
      tpu.wait_dma2 semaphore(%run_scoped3A : memref<!tpu.dma_semaphore, #tpu.memory_space<semaphore_mem>>) src(%dma_wait3A_37 : memref<624x128xf32, #tpu.memory_space<vmem_shared>>) dst(%dma_wait3A_35 : memref<624x128xf32, #tpu.memory_space<hbm>>)
      tpu.yield
    }) : () -> ()
    %eq3A_24 = arith.constant 15 : i32
    %eq3A_25 = arith.cmpi eq, %arg1, %eq3A_24 : i32
    %convert_element_type3A_26 = arith.extui %eq3A_25 : i1 to i32
    %cond3A_27 = arith.constant 0 : i32
    %cond3A_28 = arith.cmpi ne, %convert_element_type3A_26, %cond3A_27 : i32
    scf.if %cond3A_28 {
      "tpu.region"() ({
        %run_scoped3A = tpu.sem_alloc : memref<!tpu.dma_semaphore, #tpu.memory_space<semaphore_mem>>
        %dma_start3A = arith.constant 9984 : i32
        %dma_start3A_29 = arith.constant 0 : i32
        %dma_start3A_30 = tpu.memref_slice %arg5[%arg0, %dma_start3A, %dma_start3A_29] : memref<2x10000x128xf32, #tpu.memory_space<hbm>> -> memref<1x16x128xf32, #tpu.memory_space<hbm>>
        %dma_start3A_31 = tpu.memref_squeeze %dma_start3A_30 : memref<1x16x128xf32, #tpu.memory_space<hbm>> -> memref<16x128xf32, #tpu.memory_space<hbm>>
        %dma_start3A_32 = arith.constant 9984 : i32
        %dma_start3A_33 = arith.constant 0 : i32
        %dma_start3A_34 = tpu.memref_slice %arg8[%dma_start3A_32, %dma_start3A_33] : memref<10112x128xf32, #tpu.memory_space<vmem_shared>> -> memref<16x128xf32, #tpu.memory_space<vmem_shared>>
        tpu.enqueue_dma source(%dma_start3A_34 : memref<16x128xf32, #tpu.memory_space<vmem_shared>>) target(%dma_start3A_31 : memref<16x128xf32, #tpu.memory_space<hbm>>) target_semaphore(%run_scoped3A : memref<!tpu.dma_semaphore, #tpu.memory_space<semaphore_mem>>)
        %dma_wait3A_35 = arith.constant 9984 : i32
        %dma_wait3A_36 = arith.constant 0 : i32
        %dma_wait3A_37 = tpu.memref_slice %arg5[%arg0, %dma_wait3A_35, %dma_wait3A_36] : memref<2x10000x128xf32, #tpu.memory_space<hbm>> -> memref<1x16x128xf32, #tpu.memory_space<hbm>>
        %dma_wait3A_38 = tpu.memref_squeeze %dma_wait3A_37 : memref<1x16x128xf32, #tpu.memory_space<hbm>> -> memref<16x128xf32, #tpu.memory_space<hbm>>
        %dma_wait3A_39 = arith.constant 9984 : i32
        %dma_wait3A_40 = arith.constant 0 : i32
        %dma_wait3A_41 = tpu.memref_slice %arg8[%dma_wait3A_39, %dma_wait3A_40] : memref<10112x128xf32, #tpu.memory_space<vmem_shared>> -> memref<16x128xf32, #tpu.memory_space<vmem_shared>>
        tpu.wait_dma2 semaphore(%run_scoped3A : memref<!tpu.dma_semaphore, #tpu.memory_space<semaphore_mem>>) src(%dma_wait3A_41 : memref<16x128xf32, #tpu.memory_space<vmem_shared>>) dst(%dma_wait3A_38 : memref<16x128xf32, #tpu.memory_space<hbm>>)
        tpu.yield
      }) : () -> ()
    } else {
    }
    return
  }
}

module attributes {stable_mosaic.version = 14 : i64} {
  func.func @_h1_body(%arg0: i32, %arg1: memref<2000x128xf32, #tpu.memory_space<vmem>>, %arg2: memref<128x128xf32, #tpu.memory_space<vmem>>, %arg3: memref<2000x128xf32, #tpu.memory_space<vmem>>) attributes {dimension_semantics = [#tpu.dimension_semantics<arbitrary>], iteration_bounds = array<i64: 5>, scalar_prefetch = 0 : i64, scratch_operands = 0 : i64, tpu.core_type = #tpu.core_type<tc>, window_params = [{transform_indices = @transform_0, window_bounds = array<i64: 2000, 128>}, {pipeline_mode = #tpu.pipeline_mode<synchronous>, transform_indices = @transform_1, window_bounds = array<i64: 128, 128>}, {transform_indices = @transform_2, window_bounds = array<i64: 2000, 128>}]} {
    %get3A = arith.constant 0 : index
    %get3A_0 = arith.constant 0 : index
    %get3A_1 = vector.load %arg1[%get3A, %get3A_0] : memref<2000x128xf32, #tpu.memory_space<vmem>>, vector<2000x128xf32>
    %get3A_2 = arith.constant 0 : index
    %get3A_3 = arith.constant 0 : index
    %get3A_4 = vector.load %arg2[%get3A_2, %get3A_3] : memref<128x128xf32, #tpu.memory_space<vmem>>, vector<128x128xf32>
    %dot_general3A = arith.constant dense<0.000000e+00> : vector<2000x128xf32>
    %dot_general3A_5 = tpu.matmul %get3A_1, %get3A_4, %dot_general3A {dimension_numbers = #tpu.dot_dimension_numbers<[1], [1], [0], [0], [0, 0, 1, 0], [], []>, precision = #tpu.contract_precision<fp32>, transpose_lhs_hint = false} : vector<2000x128xf32>, vector<128x128xf32>, vector<2000x128xf32> -> vector<2000x128xf32>
    %swap3A = arith.constant 0 : index
    %swap3A_6 = arith.constant 0 : index
    %swap3A_7 = vector.load %arg3[%swap3A, %swap3A_6] : memref<2000x128xf32, #tpu.memory_space<vmem>>, vector<2000x128xf32>
    tpu.vector_store %arg3[%swap3A, %swap3A_6], %dot_general3A_5 {strides = array<i32>} : memref<2000x128xf32, #tpu.memory_space<vmem>>, vector<2000x128xf32>,
    return
  }
  func.func @transform_0(%arg0: i32) -> (i32, i32) {
    %c0_i32 = arith.constant 0 : i32
    %c0_i32_0 = arith.constant 0 : i32
    return %arg0, %c0_i32 : i32, i32
  }
  func.func @transform_1(%arg0: i32) -> (i32, i32) {
    %c0_i32 = arith.constant 0 : i32
    %c0_i32_0 = arith.constant 0 : i32
    %c0_i32_1 = arith.constant 0 : i32
    return %c0_i32, %c0_i32_0 : i32, i32
  }
  func.func @transform_2(%arg0: i32) -> (i32, i32) {
    %c0_i32 = arith.constant 0 : i32
    %c0_i32_0 = arith.constant 0 : i32
    return %arg0, %c0_i32 : i32, i32
  }
}

module attributes {stable_mosaic.version = 14 : i64} {
  func.func @_scale_body(%arg0: i32, %arg1: memref<2000x128xf32, #tpu.memory_space<vmem>>, %arg2: memref<2x2000x16xf32, #tpu.memory_space<vmem>>, %arg3: memref<2000x128xf32, #tpu.memory_space<vmem>>) attributes {dimension_semantics = [#tpu.dimension_semantics<arbitrary>], iteration_bounds = array<i64: 5>, scalar_prefetch = 0 : i64, scratch_operands = 0 : i64, tpu.core_type = #tpu.core_type<tc>, window_params = [{transform_indices = @transform_0, window_bounds = array<i64: 2000, 128>}, {transform_indices = @transform_1, window_bounds = array<i64: 2, 2000, 16>}, {transform_indices = @transform_2, window_bounds = array<i64: 2000, 128>}]} {
    %get3A = arith.constant 0 : index
    %get3A_0 = arith.constant 0 : index
    %get3A_1 = vector.load %arg1[%get3A, %get3A_0] : memref<2000x128xf32, #tpu.memory_space<vmem>>, vector<2000x128xf32>
    %get3A_2 = arith.constant 0 : index
    %get3A_3 = arith.constant 0 : index
    %get3A_4 = arith.constant 0 : index
    %get3A_5 = vector.load %arg2[%get3A_2, %get3A_3, %get3A_4] : memref<2x2000x16xf32, #tpu.memory_space<vmem>>, vector<1x2000x1xf32>
    %get3A_6 = vector.shape_cast %get3A_5 : vector<1x2000x1xf32> to vector<2000x1xf32>
    %get3A_7 = arith.constant 1 : index
    %get3A_8 = arith.constant 0 : index
    %get3A_9 = arith.constant 0 : index
    %get3A_10 = vector.load %arg2[%get3A_7, %get3A_8, %get3A_9] : memref<2x2000x16xf32, #tpu.memory_space<vmem>>, vector<1x2000x1xf32>
    %get3A_11 = vector.shape_cast %get3A_10 : vector<1x2000x1xf32> to vector<2000x1xf32>
    %add3A = arith.addf %get3A_6, %get3A_11 : vector<2000x1xf32>
    %add3A_12 = arith.constant 1.000000e+00 : f32
    %add3A_13 = vector.broadcast %add3A_12 : f32 to vector<2000x1xf32>
    %add3A_14 = arith.addf %add3A, %add3A_13 : vector<2000x1xf32>
    %rsqrt3A = math.rsqrt %add3A_14 : vector<2000x1xf32>
    %mul3A = vector.broadcast %rsqrt3A : vector<2000x1xf32> to vector<2000x128xf32>
    %mul3A_15 = arith.mulf %get3A_1, %mul3A : vector<2000x128xf32>
    %swap3A = arith.constant 0 : index
    %swap3A_16 = arith.constant 0 : index
    %swap3A_17 = vector.load %arg3[%swap3A, %swap3A_16] : memref<2000x128xf32, #tpu.memory_space<vmem>>, vector<2000x128xf32>
    tpu.vector_store %arg3[%swap3A, %swap3A_16], %mul3A_15 {strides = array<i32>} : memref<2000x128xf32, #tpu.memory_space<vmem>>, vector<2000x128xf32>,
    return
  }
  func.func @transform_0(%arg0: i32) -> (i32, i32) {
    %c0_i32 = arith.constant 0 : i32
    %c0_i32_0 = arith.constant 0 : i32
    return %arg0, %c0_i32 : i32, i32
  }
  func.func @transform_1(%arg0: i32) -> (i32, i32, i32) {
    %c0_i32 = arith.constant 0 : i32
    %c0_i32_0 = arith.constant 0 : i32
    %c0_i32_1 = arith.constant 0 : i32
    return %c0_i32, %arg0, %c0_i32_0 : i32, i32, i32
  }
  func.func @transform_2(%arg0: i32) -> (i32, i32) {
    %c0_i32 = arith.constant 0 : i32
    %c0_i32_0 = arith.constant 0 : i32
    return %arg0, %c0_i32 : i32, i32
  }
}

module attributes {stable_mosaic.version = 14 : i64} {
  func.func @_g2_body(%arg0: i32, %arg1: memref<2x2000x128xf32, #tpu.memory_space<vmem>>, %arg2: memref<2000x128xf32, #tpu.memory_space<vmem>>, %arg3: memref<2x2000x16xf32, #tpu.memory_space<vmem>>, %arg4: memref<128x128xf32, #tpu.memory_space<vmem>>, %arg5: memref<2000x128xf32, #tpu.memory_space<vmem>>) attributes {dimension_semantics = [#tpu.dimension_semantics<arbitrary>], iteration_bounds = array<i64: 5>, scalar_prefetch = 0 : i64, scratch_operands = 0 : i64, tpu.core_type = #tpu.core_type<tc>, window_params = [{transform_indices = @transform_0, window_bounds = array<i64: 2, 2000, 128>}, {transform_indices = @transform_1, window_bounds = array<i64: 2000, 128>}, {transform_indices = @transform_2, window_bounds = array<i64: 2, 2000, 16>}, {pipeline_mode = #tpu.pipeline_mode<synchronous>, transform_indices = @transform_3, window_bounds = array<i64: 128, 128>}, {transform_indices = @transform_4, window_bounds = array<i64: 2000, 128>}]} {
    %get3A = arith.constant 0 : index
    %get3A_0 = arith.constant 0 : index
    %get3A_1 = arith.constant 0 : index
    %get3A_2 = vector.load %arg3[%get3A, %get3A_0, %get3A_1] : memref<2x2000x16xf32, #tpu.memory_space<vmem>>, vector<1x2000x1xf32>
    %get3A_3 = vector.shape_cast %get3A_2 : vector<1x2000x1xf32> to vector<2000x1xf32>
    %get3A_4 = arith.constant 1 : index
    %get3A_5 = arith.constant 0 : index
    %get3A_6 = arith.constant 0 : index
    %get3A_7 = vector.load %arg3[%get3A_4, %get3A_5, %get3A_6] : memref<2x2000x16xf32, #tpu.memory_space<vmem>>, vector<1x2000x1xf32>
    %get3A_8 = vector.shape_cast %get3A_7 : vector<1x2000x1xf32> to vector<2000x1xf32>
    %add3A = arith.addf %get3A_3, %get3A_8 : vector<2000x1xf32>
    %add3A_9 = arith.constant 1.000000e+00 : f32
    %add3A_10 = vector.broadcast %add3A_9 : f32 to vector<2000x1xf32>
    %add3A_11 = arith.addf %add3A, %add3A_10 : vector<2000x1xf32>
    %rsqrt3A = math.rsqrt %add3A_11 : vector<2000x1xf32>
    %get3A_12 = arith.constant 0 : index
    %get3A_13 = arith.constant 0 : index
    %get3A_14 = arith.constant 0 : index
    %get3A_15 = vector.load %arg1[%get3A_12, %get3A_13, %get3A_14] : memref<2x2000x128xf32, #tpu.memory_space<vmem>>, vector<1x2000x128xf32>
    %get3A_16 = vector.shape_cast %get3A_15 : vector<1x2000x128xf32> to vector<2000x128xf32>
    %get3A_17 = arith.constant 1 : index
    %get3A_18 = arith.constant 0 : index
    %get3A_19 = arith.constant 0 : index
    %get3A_20 = vector.load %arg1[%get3A_17, %get3A_18, %get3A_19] : memref<2x2000x128xf32, #tpu.memory_space<vmem>>, vector<1x2000x128xf32>
    %get3A_21 = vector.shape_cast %get3A_20 : vector<1x2000x128xf32> to vector<2000x128xf32>
    %add3A_22 = arith.addf %get3A_16, %get3A_21 : vector<2000x128xf32>
    %get3A_23 = arith.constant 0 : index
    %get3A_24 = arith.constant 0 : index
    %get3A_25 = vector.load %arg2[%get3A_23, %get3A_24] : memref<2000x128xf32, #tpu.memory_space<vmem>>, vector<2000x128xf32>
    %add3A_26 = arith.addf %add3A_22, %get3A_25 : vector<2000x128xf32>
    %mul3A = vector.broadcast %rsqrt3A : vector<2000x1xf32> to vector<2000x128xf32>
    %mul3A_27 = arith.mulf %add3A_26, %mul3A : vector<2000x128xf32>
    %ge3A = arith.constant 0.000000e+00 : f32
    %ge3A_28 = vector.broadcast %ge3A : f32 to vector<2000x128xf32>
    %ge3A_29 = arith.cmpf oge, %mul3A_27, %ge3A_28 : vector<2000x128xf32>
    %mul3A_30 = arith.constant 0.00999999977 : f32
    %mul3A_31 = vector.broadcast %mul3A_30 : f32 to vector<2000x128xf32>
    %mul3A_32 = arith.mulf %mul3A_31, %mul3A_27 : vector<2000x128xf32>
    %select_n3A = arith.select %ge3A_29, %mul3A_27, %mul3A_32 : vector<2000x128xi1>, vector<2000x128xf32>
    %get3A_33 = arith.constant 0 : index
    %get3A_34 = arith.constant 0 : index
    %get3A_35 = vector.load %arg4[%get3A_33, %get3A_34] : memref<128x128xf32, #tpu.memory_space<vmem>>, vector<128x128xf32>
    %dot_general3A = arith.constant dense<0.000000e+00> : vector<2000x128xf32>
    %dot_general3A_36 = tpu.matmul %select_n3A, %get3A_35, %dot_general3A {dimension_numbers = #tpu.dot_dimension_numbers<[1], [1], [0], [0], [0, 0, 1, 0], [], []>, precision = #tpu.contract_precision<fp32>, transpose_lhs_hint = false} : vector<2000x128xf32>, vector<128x128xf32>, vector<2000x128xf32> -> vector<2000x128xf32>
    %mul3A_37 = vector.broadcast %rsqrt3A : vector<2000x1xf32> to vector<2000x128xf32>
    %mul3A_38 = arith.mulf %dot_general3A_36, %mul3A_37 : vector<2000x128xf32>
    %swap3A = arith.constant 0 : index
    %swap3A_39 = arith.constant 0 : index
    %swap3A_40 = vector.load %arg5[%swap3A, %swap3A_39] : memref<2000x128xf32, #tpu.memory_space<vmem>>, vector<2000x128xf32>
    tpu.vector_store %arg5[%swap3A, %swap3A_39], %mul3A_38 {strides = array<i32>} : memref<2000x128xf32, #tpu.memory_space<vmem>>, vector<2000x128xf32>,
    return
  }
  func.func @transform_0(%arg0: i32) -> (i32, i32, i32) {
    %c0_i32 = arith.constant 0 : i32
    %c0_i32_0 = arith.constant 0 : i32
    %c0_i32_1 = arith.constant 0 : i32
    return %c0_i32, %arg0, %c0_i32_0 : i32, i32, i32
  }
  func.func @transform_1(%arg0: i32) -> (i32, i32) {
    %c0_i32 = arith.constant 0 : i32
    %c0_i32_0 = arith.constant 0 : i32
    return %arg0, %c0_i32 : i32, i32
  }
  func.func @transform_2(%arg0: i32) -> (i32, i32, i32) {
    %c0_i32 = arith.constant 0 : i32
    %c0_i32_0 = arith.constant 0 : i32
    %c0_i32_1 = arith.constant 0 : i32
    return %c0_i32, %arg0, %c0_i32_0 : i32, i32, i32
  }
  func.func @transform_3(%arg0: i32) -> (i32, i32) {
    %c0_i32 = arith.constant 0 : i32
    %c0_i32_0 = arith.constant 0 : i32
    %c0_i32_1 = arith.constant 0 : i32
    return %c0_i32, %c0_i32_0 : i32, i32
  }
  func.func @transform_4(%arg0: i32) -> (i32, i32) {
    %c0_i32 = arith.constant 0 : i32
    %c0_i32_0 = arith.constant 0 : i32
    return %arg0, %c0_i32 : i32, i32
  }
}

module attributes {stable_mosaic.version = 14 : i64} {
  func.func @_pool_body(%arg0: i32, %arg1: memref<2x2000x128xf32, #tpu.memory_space<vmem>>, %arg2: memref<2000x128xf32, #tpu.memory_space<vmem>>, %arg3: memref<2x2000x16xf32, #tpu.memory_space<vmem>>, %arg4: memref<1x1x2000xi32, #tpu.memory_space<vmem>>, %arg5: memref<64x128xf32, #tpu.memory_space<vmem>>) attributes {dimension_semantics = [#tpu.dimension_semantics<arbitrary>], iteration_bounds = array<i64: 5>, scalar_prefetch = 0 : i64, scratch_operands = 0 : i64, tpu.core_type = #tpu.core_type<tc>, window_params = [{transform_indices = @transform_0, window_bounds = array<i64: 2, 2000, 128>}, {transform_indices = @transform_1, window_bounds = array<i64: 2000, 128>}, {transform_indices = @transform_2, window_bounds = array<i64: 2, 2000, 16>}, {transform_indices = @transform_3, window_bounds = array<i64: 1, 1, 2000>}, {pipeline_mode = #tpu.pipeline_mode<synchronous>, transform_indices = @transform_4, window_bounds = array<i64: 64, 128>}]} {
    %get3A = arith.constant 0 : index
    %get3A_0 = arith.constant 0 : index
    %get3A_1 = arith.constant 0 : index
    %get3A_2 = vector.load %arg3[%get3A, %get3A_0, %get3A_1] : memref<2x2000x16xf32, #tpu.memory_space<vmem>>, vector<1x2000x1xf32>
    %get3A_3 = vector.shape_cast %get3A_2 : vector<1x2000x1xf32> to vector<2000x1xf32>
    %get3A_4 = arith.constant 1 : index
    %get3A_5 = arith.constant 0 : index
    %get3A_6 = arith.constant 0 : index
    %get3A_7 = vector.load %arg3[%get3A_4, %get3A_5, %get3A_6] : memref<2x2000x16xf32, #tpu.memory_space<vmem>>, vector<1x2000x1xf32>
    %get3A_8 = vector.shape_cast %get3A_7 : vector<1x2000x1xf32> to vector<2000x1xf32>
    %add3A = arith.addf %get3A_3, %get3A_8 : vector<2000x1xf32>
    %add3A_9 = arith.constant 1.000000e+00 : f32
    %add3A_10 = vector.broadcast %add3A_9 : f32 to vector<2000x1xf32>
    %add3A_11 = arith.addf %add3A, %add3A_10 : vector<2000x1xf32>
    %rsqrt3A = math.rsqrt %add3A_11 : vector<2000x1xf32>
    %get3A_12 = arith.constant 0 : index
    %get3A_13 = arith.constant 0 : index
    %get3A_14 = arith.constant 0 : index
    %get3A_15 = vector.load %arg1[%get3A_12, %get3A_13, %get3A_14] : memref<2x2000x128xf32, #tpu.memory_space<vmem>>, vector<1x2000x128xf32>
    %get3A_16 = vector.shape_cast %get3A_15 : vector<1x2000x128xf32> to vector<2000x128xf32>
    %get3A_17 = arith.constant 1 : index
    %get3A_18 = arith.constant 0 : index
    %get3A_19 = arith.constant 0 : index
    %get3A_20 = vector.load %arg1[%get3A_17, %get3A_18, %get3A_19] : memref<2x2000x128xf32, #tpu.memory_space<vmem>>, vector<1x2000x128xf32>
    %get3A_21 = vector.shape_cast %get3A_20 : vector<1x2000x128xf32> to vector<2000x128xf32>
    %add3A_22 = arith.addf %get3A_16, %get3A_21 : vector<2000x128xf32>
    %get3A_23 = arith.constant 0 : index
    %get3A_24 = arith.constant 0 : index
    %get3A_25 = vector.load %arg2[%get3A_23, %get3A_24] : memref<2000x128xf32, #tpu.memory_space<vmem>>, vector<2000x128xf32>
    %add3A_26 = arith.addf %add3A_22, %get3A_25 : vector<2000x128xf32>
    %mul3A = vector.broadcast %rsqrt3A : vector<2000x1xf32> to vector<2000x128xf32>
    %mul3A_27 = arith.mulf %add3A_26, %mul3A : vector<2000x128xf32>
    %get3A_28 = arith.constant 0 : index
    %get3A_29 = arith.constant 0 : index
    %get3A_30 = arith.constant 0 : index
    %get3A_31 = vector.load %arg4[%get3A_28, %get3A_29, %get3A_30] : memref<1x1x2000xi32, #tpu.memory_space<vmem>>, vector<1x1x2000xi32>
    %get3A_32 = vector.shape_cast %get3A_31 : vector<1x1x2000xi32> to vector<2000xi32>
    %iota3A = tpu.iota {dimensions = array<i32: 0>} : vector<64x2000xi32>
    %broadcast_in_dim3A = vector.shape_cast %get3A_32 : vector<2000xi32> to vector<1x2000xi32>
    %eq3A = vector.broadcast %broadcast_in_dim3A : vector<1x2000xi32> to vector<64x2000xi32>
    %eq3A_33 = arith.cmpi eq, %eq3A, %iota3A : vector<64x2000xi32>
    %convert_element_type3A = arith.extui %eq3A_33 : vector<64x2000xi1> to vector<64x2000xi32>
    %convert_element_type3A_34 = arith.sitofp %convert_element_type3A : vector<64x2000xi32> to vector<64x2000xf32>
    %dot_general3A = arith.constant dense<0.000000e+00> : vector<64x128xf32>
    %dot_general3A_35 = tpu.matmul %convert_element_type3A_34, %mul3A_27, %dot_general3A {dimension_numbers = #tpu.dot_dimension_numbers<[1], [0], [0], [1], [0, 0, 1, 1], [], []>, precision = #tpu.contract_precision<fp32>, transpose_lhs_hint = false} : vector<64x2000xf32>, vector<2000x128xf32>, vector<64x128xf32> -> vector<64x128xf32>
    %eq3A_36 = arith.constant 0 : i32
    %eq3A_37 = arith.cmpi eq, %arg0, %eq3A_36 : i32
    %convert_element_type3A_38 = arith.extui %eq3A_37 : i1 to i32
    %cond3A = arith.constant 0 : i32
    %cond3A_39 = arith.cmpi ne, %convert_element_type3A_38, %cond3A : i32
    scf.if %cond3A_39 {
      %swap3A = arith.constant 0 : index
      %swap3A_44 = arith.constant 0 : index
      %swap3A_45 = vector.load %arg5[%swap3A, %swap3A_44] : memref<64x128xf32, #tpu.memory_space<vmem>>, vector<64x128xf32>
      tpu.vector_store %arg5[%swap3A, %swap3A_44], %dot_general3A_35 {strides = array<i32>} : memref<64x128xf32, #tpu.memory_space<vmem>>, vector<64x128xf32>,
    } else {
    }
    %gt3A = arith.constant 0 : i32
    %gt3A_40 = arith.cmpi sgt, %arg0, %gt3A : i32
    %convert_element_type3A_41 = arith.extui %gt3A_40 : i1 to i32
    %cond3A_42 = arith.constant 0 : i32
    %cond3A_43 = arith.cmpi ne, %convert_element_type3A_41, %cond3A_42 : i32
    scf.if %cond3A_43 {
      %get3A_44 = arith.constant 0 : index
      %get3A_45 = arith.constant 0 : index
      %get3A_46 = vector.load %arg5[%get3A_44, %get3A_45] : memref<64x128xf32, #tpu.memory_space<vmem>>, vector<64x128xf32>
      %add3A_47 = arith.addf %get3A_46, %dot_general3A_35 : vector<64x128xf32>
      %swap3A = arith.constant 0 : index
      %swap3A_48 = arith.constant 0 : index
      %swap3A_49 = vector.load %arg5[%swap3A, %swap3A_48] : memref<64x128xf32, #tpu.memory_space<vmem>>, vector<64x128xf32>
      tpu.vector_store %arg5[%swap3A, %swap3A_48], %add3A_47 {strides = array<i32>} : memref<64x128xf32, #tpu.memory_space<vmem>>, vector<64x128xf32>,
    } else {
    }
    return
  }
  func.func @transform_0(%arg0: i32) -> (i32, i32, i32) {
    %c0_i32 = arith.constant 0 : i32
    %c0_i32_0 = arith.constant 0 : i32
    %c0_i32_1 = arith.constant 0 : i32
    return %c0_i32, %arg0, %c0_i32_0 : i32, i32, i32
  }
  func.func @transform_1(%arg0: i32) -> (i32, i32) {
    %c0_i32 = arith.constant 0 : i32
    %c0_i32_0 = arith.constant 0 : i32
    return %arg0, %c0_i32 : i32, i32
  }
  func.func @transform_2(%arg0: i32) -> (i32, i32, i32) {
    %c0_i32 = arith.constant 0 : i32
    %c0_i32_0 = arith.constant 0 : i32
    %c0_i32_1 = arith.constant 0 : i32
    return %c0_i32, %arg0, %c0_i32_0 : i32, i32, i32
  }
  func.func @transform_3(%arg0: i32) -> (i32, i32, i32) {
    %c0_i32 = arith.constant 0 : i32
    %c0_i32_0 = arith.constant 0 : i32
    %c0_i32_1 = arith.constant 0 : i32
    return %arg0, %c0_i32, %c0_i32_0 : i32, i32, i32
  }
  func.func @transform_4(%arg0: i32) -> (i32, i32) {
    %c0_i32 = arith.constant 0 : i32
    %c0_i32_0 = arith.constant 0 : i32
    %c0_i32_1 = arith.constant 0 : i32
    return %c0_i32, %c0_i32_0 : i32, i32
  }
}

</mosaic_0001>

<sc_bundles>
// kernel: kernel.12.cloned.1.call-start
scs
__scs_entry_jumppad:
0x0: {  	(pc) =	sbr.rel $0x88, $3  }
0x1: {  	(tag) =	ssettag $0x0;
	lr =	simm.s32 $0x1  }
0x2: {  	[smem:$0x3F9C] =	sst lr;
	_ =	strace $0xD0000000  }
0x3: {  	_ = 	snop  }
0x4: {  	_ = 	snop  }
0x5: {  	_ = 	snop  }
0x6: {  	_ = 	snop  }
0x7: {  	_ = 	snop  }
__scs_overlays_trampoline_lowered:
0x8: {  	[smem:$0x3FAB] =	sst s0  }
0x9: {  	[smem:$0x3FAC] =	sst s1  }
0xa: {  	[smem:$0x3FAD] =	sst s2  }
0xb: {  	[smem:$0x3FAE] =	sst s3  }
0xc: {  	[smem:$0x3FAF] =	sst s4  }
0xd: {  	[smem:$0x3FB0] =	sst s5  }
0xe: {  	[smem:$0x3FB1] =	sst s6  }
0xf: {  	[smem:$0x3FB2] =	sst s7  }
0x10: {  	[smem:$0x3FB3] =	sst s8  }
0x11: {  	[smem:$0x3FB4] =	sst s9;
	s0 =	simm.s32 @!p0 $0x0  }
0x12: {  	s1 =	sld [smem:$0x3F9A];
	s0 =	simm.s32 @p0 $0x1  }
0x13: {  	[smem:$0x3FB5] =	sst s0;
	s0 =	simm.s32 @!p1 $0x0  }
0x14: {  	s2 =	sld [smem:$0x3F99];
	s0 =	simm.s32 @p1 $0x1  }
0x15: {  	[smem:$0x3FB6] =	sst s0;
	s0 =	simm.s32 @!p2 $0x0  }
0x16: {  	s3 =	sld [smem:$0x3FDB];
	s0 =	simm.s32 @p2 $0x1  }
0x17: {  	s4 =	simm.s32 $0x1BF5;
	[smem:$0x3FB8] =	sst s0  }
0x18: {  	s0 =	sld [smem:$0x3F9B];
	_ =	swait.ge [sflag:s4], $0x0  }
0x19: {  	s7 =	sld [smem:$0x3F9C]  }
0x1a: {  	s8 =	sadd.s32 $0xFFFFE003, lr  }
0x1b: {  	s9 =	sadd.s32 $0xFFFFFEF7, lr;
	s5 =	simm.s32 $0xFFFFFFFF;
	p2 =	slt.u32 s8, $0xFFFFF086  }
0x1c: {  	p1 =	slt.u32 s9, $0xF7A;
	s5 =	simm.s32 @!p2 $0x0  }
0x1d: {  	s5 =	simm.s32 @p1 $0x1;
	p0 =	seq.s32 s7, s2  }
0x1e: {  	s7 =	smul.u32 @!p0 $0xF7A, s2;
	p2 =	seq.s32 @!p0 s5, $0x0  }
0x1f: {  	s9 =	smul.u32 $0xF7A, s1;
	s8 =	simm.s32 @!p0 $0x1BF5;
	p2 =	por !p2, p0  }
0x20: {  	[sflag:s8] =	ssyncset.s32 @!p0 $0xFFFFF086;
	s6 =	sadd.s32 @!p0 s3, s7;
	s7 =	simm.s32 @!p0 $0x108  }
0x21: {  	s3 =	sadd.s32 s3, s9;
	s6 =	sadd.s32 @!p0 $0x88, s6;
	s7 =	simm.s32 @p2 $0x1082  }
0x22: {  	[simem:s7], [sflag:s8] =	dma.local @!p0 [hbm:s6], $0xF7A  }
0x23: {  	s9 =	sor.u32 $0xD0000000, s2;
	s6 =	simm.s32 $0x108;
	_ =	swait.ge @!p0 [sflag:s8], $0x0  }
0x24: {  	s3 =	sadd.s32 $0x88, s3;
	s6 =	simm.s32 @!p1 $0x1082;
	[sflag:s4] =	ssyncset.s32 $0xFFFFF086  }
0x25: {  	[simem:s6], [sflag:s4] =	dma.local [hbm:s3], $0xF7A  }
0x26: {  	[smem:$0x3F9C] =	sst s1;
	(tag) =	ssettag s2;
	_ =	strace s9  }
0x27: {  	s1 =	sld [smem:$0x3FAC]  }
0x28: {  	s2 =	sld [smem:$0x3FAD]  }
0x29: {  	s4 =	sld [smem:$0x3FAF]  }
0x2a: {  	p0 =	seq.s32 s5, $0x0;
	s5 =	sld [smem:$0x3FB0]  }
0x2b: {  	s6 =	sld [smem:$0x3FB1]  }
0x2c: {  	s7 =	sld [smem:$0x3FB2]  }
0x2d: {  	s3 =	simm.s32 $0x108;
	s8 =	sld [smem:$0x3FB3]  }
0x2e: {  	s3 =	simm.s32 @!p0 $0x1082;
	s9 =	sld [smem:$0x3FB4]  }
0x2f: {  	lr =	sadd.s32 s0, s3;
	s0 =	sld [smem:$0x3FAB]  }
0x30: {  	s3 =	sld [smem:$0x3FAE]  }
0x31: {  	[smem:$0x3FB7] =	sst s10  }
0x32: {  	s10 =	sld [smem:$0x3FB5];
	_ =	sdelay $0x3  }
0x33: {  	p0 =	seq.s32 s10, $0x1;
	s10 =	sld [smem:$0x3FB7];
	_ =	sdelay $0x3  }
0x34: {  	[smem:$0x3FB7] =	sst s10  }
0x35: {  	s10 =	sld [smem:$0x3FB6];
	_ =	sdelay $0x3  }
0x36: {  	p1 =	seq.s32 s10, $0x1;
	s10 =	sld [smem:$0x3FB7];
	_ =	sdelay $0x3  }
0x37: {  	[smem:$0x3FB7] =	sst s10  }
0x38: {  	s10 =	sld [smem:$0x3FB8]  }
0x39: {  	_ = 	snop;
	(pc) =	sbr.ind lr, $3  }
0x3a: {  	_ = 	snop  }
0x3b: {  	_ = 	snop  }
0x3c: {  	p2 =	seq.s32 s10, $0x1;
	s10 =	sld [smem:$0x3FB7]  }
0x3d: {  	_ =	shalt  }
0x3e: {  	_ =	shalt  }
0x3f: {  	_ =	shalt  }
0x40: {  	_ =	shalt  }
0x41: {  	_ =	shalt  }
0x42: {  	_ =	shalt  }
0x43: {  	_ =	shalt  }
0x44: {  	_ =	shalt  }
0x45: {  	_ =	shalt  }
0x46: {  	_ =	shalt  }
0x47: {  	_ =	shalt  }
0x48: {  	_ =	shalt  }
0x49: {  	_ =	shalt  }
0x4a: {  	_ =	shalt  }
0x4b: {  	_ =	shalt  }
0x4c: {  	_ =	shalt  }
0x4d: {  	_ =	shalt  }
0x4e: {  	_ =	shalt  }
0x4f: {  	_ =	shalt  }
0x50: {  	_ =	shalt  }
0x51: {  	_ =	shalt  }
0x52: {  	_ =	shalt  }
0x53: {  	_ =	shalt  }
0x54: {  	_ =	shalt  }
0x55: {  	_ =	shalt  }
0x56: {  	_ =	shalt  }
0x57: {  	_ =	shalt  }
0x58: {  	_ =	shalt  }
0x59: {  	_ =	shalt  }
0x5a: {  	_ =	shalt  }
0x5b: {  	_ =	shalt  }
0x5c: {  	_ =	shalt  }
0x5d: {  	_ =	shalt  }
0x5e: {  	_ =	shalt  }
0x5f: {  	_ =	shalt  }
0x60: {  	_ =	shalt  }
0x61: {  	_ =	shalt  }
0x62: {  	_ =	shalt  }
0x63: {  	_ =	shalt  }
0x64: {  	_ =	shalt  }
0x65: {  	_ =	shalt  }
0x66: {  	_ =	shalt  }
0x67: {  	_ =	shalt  }
0x68: {  	_ =	shalt  }
0x69: {  	_ =	shalt  }
0x6a: {  	_ =	shalt  }
0x6b: {  	_ =	shalt  }
0x6c: {  	_ =	shalt  }
0x6d: {  	_ =	shalt  }
0x6e: {  	_ =	shalt  }
0x6f: {  	_ =	shalt  }
0x70: {  	_ =	shalt  }
0x71: {  	_ =	shalt  }
0x72: {  	_ =	shalt  }
0x73: {  	_ =	shalt  }
0x74: {  	_ =	shalt  }
0x75: {  	_ =	shalt  }
0x76: {  	_ =	shalt  }
0x77: {  	_ =	shalt  }
0x78: {  	_ =	shalt  }
0x79: {  	_ =	shalt  }
0x7a: {  	_ =	shalt  }
0x7b: {  	_ =	shalt  }
0x7c: {  	_ =	shalt  }
0x7d: {  	_ =	shalt  }
0x7e: {  	_ =	shalt  }
0x7f: {  	_ =	shalt  }
0x80: {  	_ =	shalt  }
0x81: {  	_ =	shalt  }
0x82: {  	_ =	shalt  }
0x83: {  	_ =	shalt  }
0x84: {  	_ =	shalt  }
0x85: {  	_ =	shalt  }
0x86: {  	_ =	shalt  }
0x87: {  	_ =	shalt  }
.Lfunc_end0:
.L_simem_size_0:
called_computation.1_lowered:
.L_overlay_start_0:
0x88: {  	s2 =	sld [smem:$0x3FD9]  }
0x89: {  	s3 =	sld [smem:$0x3FFE];
	_ =	sdelay $0x1  }
0x8a: {  	s1 =	srdreg.scid  }
0x8b: {  	s0 =	sand.u32 $0x1, s1  }
0x8c: {  	s16 =	sshll.u32 s0, $0xA;
	s2 =	sadd.s32 s3, s2  }
0x8d: {  	s2 =	sadd.s32 s2, s16  }
0x8e: {  	[smem:$0x3FC3] =	sst s2  }
0x8f: {  	_ = 	snop  }
0x90: {  	(tm) =	ssettm $0x1  }
0x91: {  	s17 =	sld [smem:$0x3FFB];
	_ =	sdelay $0x3  }
0x92: {  	_ =	strace s17  }
0x93: {  	s2 =	sld [smem:$0x3FFC];
	_ =	sdelay $0x3  }
0x94: {  	_ =	strace s2  }
0x95: {  	s2 =	sld [smem:$0x3FFD];
	_ =	sdelay $0x3  }
0x96: {  	_ =	strace s2  }
0x97: {  	_ =	strace $0x8FFFFFFF  }
0x98: {  	s18 =	sld [smem:$0x3FDB];
	_ =	sdelay $0x1  }
0x99: {  	s19 =	simm.s32 $_scs_section_size  }
0x9a: {  	s4 =	simm.s32 $_size__tile_overlayer_lowered;
	s5 =	simm.s32 $_tile_overlayer_lowered  }
0x9b: {  	s22 =	simm.s32 $0x1BFF;
	s21 =	sshll.u32 s5, $0x1;
	s2 =	sadd.s32 s19, s18  }
0x9c: {  	s6 =	simm.s32 $0x0;
	s20 =	sshll.u32 s4, $0x1;
	s4 =	sadd.s32 s21, s2  }
0x9d: {  	[timem:s6], [sflag:s22] =	dma.local [hbm:s4], s20  }
0x9e: {  	_ =	swait.ge [sflag:s22], s20  }
0x9f: {  	s3 =	ssub.s32 $0x0, s20;
	[sflag:s22] =	ssyncset.done $0x0  }
0xa0: {  	[sflag:s22] =	ssyncadd.s32 s3;
	_ =	sdelay $0x1  }
0xa1: {  	s23 =	simm.s32 $0x1B8B  }
0xa2: {  	_ =	swait.ge [sflag:s23], $0x1  }
0xa3: {  	[sflag:s23] =	ssyncset.done $0x0  }
0xa4: {  	s25 =	simm.s32 $0x1B8E;
	s24 =	sld [smem:$0x3FFE];
	[sflag:s23] =	ssyncadd.s32 $0xFFFFFFFF  }
0xa5: {  	s26 =	simm.s32 $execute0_lowered;
	[smem:$0x3FD2] =	sst s25  }
0xa6: {  	s4 =	sshll.u32 s26, $0x1;
	_ =	strace $0x80000049;
	[dreg:$0x1] =	wrdreg $0xFFFFFFFF  }
0xa7: {  	s28 =	simm.s32 $_size_execute0_lowered;
	s2 =	sadd.s32 s2, s4;
	[dreg:$0x0] =	wrdreg $0x0  }
0xa8: {  	s4 =	sshll.u32 s28, $0x1;
	[dreg:$0x2] =	wrdreg s2  }
0xa9: {  	[dreg:$0x3] =	wrdreg s4  }
0xaa: {  	[dreg:$0x4] =	wrdreg $0xC0  }
0xab: {  	_ =	task [dreg:s6], $0x5FFFF  }
0xac: {  	[dreg:$0x1] =	wrdreg $0xFFFFFFFF  }
0xad: {  	[dreg:$0x0] =	wrdreg $0x60  }
0xae: {  	[dreg:$0x2] =	wrdreg s24  }
0xaf: {  	[dreg:$0x3] =	wrdreg $0xC3000  }
0xb0: {  	[dreg:$0x4] =	wrdreg $0x9  }
0xb1: {  	_ =	task.clear_ibuf [dreg:s6], $0x5FFFF;
	_ =	strace $0x90000049  }
0xb2: {  	s29 =	simm.s32 $0x9;
	_ =	strace $0x8000004B  }
0xb3: {  	_ =	swait.ge [sflag:s29], $0x1  }
0xb4: {  	[sflag:s29] =	ssyncadd.s32 $0xFFFFFFFF  }
0xb5: {  	_ =	strace $0x9000004B  }
0xb6: {  	_ =	sfence  }
0xb7: {  	s30 =	sld [smem:$0x0];
	_ =	sdelay $0x2  }
0xb8: {  	s31 =	sshll.u32 s1, $0xD;
	s1 =	sshrl.u32 s1, $0x2  }
0xb9: {  	s3 =	sand.u32 $0x4000, s31;
	s1 =	sadd.s32 s1, s30  }
0xba: {  	s0 =	sor.u32 s3, s0;
	s1 =	sshll.u32 s1, $0x11  }
0xbb: {  	s0 =	sor.u32 s1, s0  }
0xbc: {  	s0 =	sadd.s32 $0x8F2B, s0  }
0xbd: {  	[sflag:s0] =	ssyncadd.remote.s32 $0x1  }
0xbe: {  	_ =	sfence.sel $0xFFFF  }
0xbf: {  	[dreg:$0x0] =	wrdreg $0xFFFFFFFF;
	(pc) =	sbr.abs _section_cstart, $3  }
0xc0: {  	[dreg:$0x1] =	wrdreg $0xFFFFFFFF  }
0xc1: {  	_ =	task.clear_ibuf [dreg:s6], $0x2FFFF;
	_ =	strace $0x9FFFFFFF  }
0xc2: {  	(tm) =	ssettm $0x7FFFFFFF  }
0xc3: {  	_ =	shalt  }
tec
execute0_lowered:
.L_overlay_start_1:
0x0: {  	(tag) =	ssettag $0x1  }
0x1: {  	s0 =	rddreg [dreg:$0x0]  }
0x2: {  	s2 =	rddreg [dreg:$0x1]  }
0x3: {  	s3 =	simm.s32 $0x0;
	s5 =	stileid.u32;
	s7 =	srdreg.scid  }
0x4: {  	s29 =	simm.s32 $0x80;
	s30 =	simm.s32 $0x100;
	s31 =	simm.s32 $0x180  }
0x5: {  	[smem:$0x7FF] =	sst s3;
	s1 =	smul.u32 $0x13800, s5;
	s4 =	sadd.s32 $0x96000, s0  }
0x6: {  	s6 =	sadd.s32 $0x8BE00, s0;
	s14 =	sadd.s32 $0x81C00, s0;
	s7 =	sand.u32 $0x1, s7  }
0x7: {  	s10 =	smul.u32 $0x4E000, s5;
	s11 =	sadd.s32 $0xBD200, s0;
	s20 =	sshll.u32 s5, $0x6  }
0x8: {  	s23 =	sadd.s32 $0x138000, s2;
	s16 =	smul.u32 $0x2880, s5;
	p0 =	sne.s32 s5, $0xF  }
0x9: {  	_ =	strace $0x8000004A;
	s9 =	sshll.u32 s7, $0x4;
	s12 =	ssub.s32 $0x2, s7  }
0xa: {  	s21 =	sor.u32 $0x1C0D, s20;
	[dreg:$0x6] =	wrdreg s23;
	s26 =	smul.u32 $0x138800, s7  }
0xb: {  	s7 =	smul.u32 $0x28800, s7;
	s8 =	sshrl.u32 s1, $0x3;
	s9 =	sor.u32 s5, s9  }
0xc: {  	s13 =	sshrl.u32 s12, $0x1;
	s10 =	sshrl.u32 s10, $0x2;
	[dreg:$0x5] =	wrdreg s21  }
0xd: {  	s8 =	sadd.s32 s8, s0;
	s9 =	smul.u32 $0x2880, s9;
	s12 =	ssub.s32 s12, s13  }
0xe: {  	s10 =	sadd.s32 s10, s2;
	s0 =	sadd.s32 $0x33000, s0;
	s1 =	sadd.s32 s1, s26  }
0xf: {  	s18 =	sshrl.u32 s26, $0x3;
	[dreg:$0x3] =	wrdreg s10;
	s8 =	sadd.s32 $0xC000, s8  }
0x10: {  	[dreg:$0x7] =	wrdreg s0;
	s1 =	sshrl.u32 s1, $0x3;
	s21 =	smax.u32 s12, $0x1  }
0x11: {  	s10 =	simm.s32 $0x280;
	s12 =	simm.s32 $0x3;
	[dreg:$0x4] =	wrdreg s8  }
0x12: {  	s22 =	sshrl.u32 s9, $0x3;
	s1 =	sadd.s32 s11, s1;
	[dreg:$0x10] =	wrdreg s21  }
0x13: {  	s9 =	simm.s32 $0x4300;
	s8 =	sadd.s32 s14, s22;
	[dreg:$0xe] =	wrdreg s1  }
0x14: {  	s13 =	sadd.s32 s6, s22;
	s24 =	sadd.s32 $0x10, s22;
	[dreg:$0xb] =	wrdreg s8  }
0x15: {  	s25 =	sadd.s32 $0x20, s22;
	s15 =	sadd.s32 s6, s24;
	[dreg:$0x8] =	wrdreg s13  }
0x16: {  	s28 =	sadd.s32 s6, s25;
	s0 =	sadd.s32 s14, s24;
	[dreg:$0x9] =	wrdreg s15  }
0x17: {  	s17 =	sadd.s32 s14, s25;
	s8 =	sadd.s32 s11, s18;
	[dreg:$0xa] =	wrdreg s28  }
0x18: {  	s26 =	sadd.s32 $0x30, s13;
	s13 =	simm.s32 $0x8300;
	[dreg:$0xc] =	wrdreg s0  }
0x19: {  	s11 =	simm.s32 $0x7;
	s18 =	simm.s32 $0xB;
	[dreg:$0xd] =	wrdreg s17  }
0x1a: {  	s0 =	sadd.s32 s16, s7;
	s19 =	sadd.s32 $0x27000, s8;
	[dreg:$0x13] =	wrdreg s26  }
0x1b: {  	s7 =	simm.s32 $0x2;
	s15 =	simm.s32 $0xA;
	s16 =	simm.s32 $0x8  }
0x1c: {  	s17 =	simm.s32 $0x5;
	s26 =	simm.s32 $0xC;
	s28 =	simm.s32 $0x0  }
0x1d: {  	[dreg:$0xf] =	wrdreg s19;
	s20 =	sadd.s32 $0x300, s0;
	s22 =	sadd.s32 $0x280, s0  }
0x1e: {  	s24 =	sadd.s32 $0x200, s0;
	s0 =	sadd.s32 $0x180, s0;
	s19 =	simm.s32 $0x9  }
0x1f: {  	[dreg:$0x14] =	wrdreg s28;
	s1 =	sshrl.u32 s20, $0x3;
	s23 =	sshrl.u32 s22, $0x3  }
.Ltmp0:
0x20: {  	s25 =	sshrl.u32 s24, $0x3;
	s20 =	smov.u32 s14;
	(pc) =	sbr.rel .LBB2_1-.Ltmp0, $4  }
0x21: {  	[dreg:$0x12] =	wrdreg s0;
	s0 =	simm.s32 $0x1;
	s1 =	sadd.s32 s1, s6  }
0x22: {  	s21 =	sadd.s32 s23, s14;
	s22 =	sadd.s32 s23, s6;
	s23 =	sadd.s32 s25, s6  }
0x23: {  	s24 =	sadd.s32 s25, s14;
	s6 =	simm.s32 $0x200;
	s14 =	simm.s32 $0x4  }
0x24: {  	s25 =	simm.s32 $0x6;
	[dreg:$0x11] =	wrdreg s1;
	s1 =	simm.s32 $0x300  }
.LBB2_4:
0x25: {  	_ =	swait.ge [sflag:s16], $0x4000  }
0x26: {  	[sflag:s16] =	ssyncset.done $0x0  }
0x27: {  	[sflag:s16] =	ssyncadd.s32 $0xFFFFC000  }
0x28: {  	_ =	swait.ge [sflag:s17], $0x80  }
0x29: {  	[sflag:s17] =	ssyncset.done $0x0  }
0x2a: {  	[sflag:s17] =	ssyncadd.s32 $0xFFFFFF80  }
0x2b: {  	[spmem:s2] =	stream.indirect.scatter.add.f32 [tilespmem:s9], [sflag:$0xB], $0x80, s6, s29, $0xb8;
	[tilespmem:$0x1FF00] =	vst v63  }
0x2c: {  	_ =	swait.ge [sflag:s19], $0x4000  }
0x2d: {  	[sflag:s19] =	ssyncset.done $0x0  }
0x2e: {  	[sflag:s19] =	ssyncadd.s32 $0xFFFFC000  }
0x2f: {  	_ =	swait.ge [sflag:s25], $0x80  }
0x30: {  	[sflag:s25] =	ssyncset.done $0x0  }
0x31: {  	[sflag:s25] =	ssyncadd.s32 $0xFFFFFF80  }
0x32: {  	[spmem:s2] =	stream.indirect.scatter.add.f32 [tilespmem:s13], [sflag:$0xC], $0x80, s10, s29, $0xb8;
	[tilespmem:$0x1FF00] =	vst v63  }
0x33: {  	_ =	swait.ge [sflag:s15], $0x4000  }
0x34: {  	[sflag:s15] =	ssyncset.done $0x0  }
0x35: {  	[sflag:s15] =	ssyncadd.s32 $0xFFFFC000  }
0x36: {  	_ =	swait.ge [sflag:s18], $0x4000  }
0x37: {  	[sflag:s18] =	ssyncset.done $0x0  }
0x38: {  	[sflag:s18] =	ssyncadd.s32 $0xFFFFC000  }
0x39: {  	_ =	swait.ge [sflag:s26], $0x4000  }
0x3a: {  	[sflag:s26] =	ssyncset.done $0x0  }
0x3b: {  	[sflag:s26] =	ssyncadd.s32 $0xFFFFC000  }
0x3c: {  	[bflag:$0x0] =	sbarrier.arrive $0xFFFF  }
0x3d: {  	s28 =	rddreg [dreg:$0x5]  }
0x3e: {  	s5 =	rddreg [dreg:$0xe]  }
0x3f: {  	s8 =	rddreg [dreg:$0x15]  }
0x40: {  	[hbm:s5], [sflag:s28] =	dma.local [spmem:s8], $0x2700  }
0x41: {  	s8 =	simm.s32 $0xD  }
0x42: {  	_ =	swait.ge [sflag:s8], $0x2700  }
0x43: {  	[sflag:s8] =	ssyncset.done $0x0;
	s5 =	rddreg [dreg:$0xf]  }
0x44: {  	[sflag:s8] =	ssyncadd.s32 $0xFFFFD900;
	s8 =	rddreg [dreg:$0x16]  }
0x45: {  	[hbm:s5], [sflag:s28] =	dma.local @!p0 [spmem:s8], $0x100  }
0x46: {  	s5 =	simm.s32 @!p0 $0xD  }
0x47: {  	_ =	swait.ge @!p0 [sflag:s5], $0x100  }
0x48: {  	s8 =	rddreg [dreg:$0x14]  }
0x49: {  	s28 =	sadd.s32 $0x1, s8;
	s8 =	rddreg [dreg:$0x10]  }
0x4a: {  	p1 =	sne.s32 s28, s8  }
.Ltmp1:
0x4b: {  	_ = 	snop;
	(pc) =	sbr.rel @!p1 .LBB2_5-.Ltmp1, $3  }
0x4c: {  	_ =	sdelay $0x1  }
0x4d: {  	[sflag:s5] =	ssyncset.done @!p0 $0x0  }
0x4e: {  	[sflag:s5] =	ssyncadd.s32 @!p0 $0xFFFFFF00;
	[dreg:$0x14] =	wrdreg s28  }
.LBB2_1:
0x4f: {  	s5 =	rddreg [dreg:$0x3]  }
0x50: {  	s8 =	rddreg [dreg:$0x5]  }
0x51: {  	s28 =	sshrl.u32 s5, $0x3;
	s5 =	rddreg [dreg:$0x4]  }
0x52: {  	[dreg:$0x15] =	wrdreg s28  }
0x53: {  	[spmem:s28], [sflag:s8] =	dma.local [hbm:s5], $0x2700  }
0x54: {  	s5 =	simm.s32 $0xD  }
0x55: {  	_ =	swait.ge [sflag:s5], $0x2700  }
0x56: {  	[sflag:s5] =	ssyncset.done $0x0  }
0x57: {  	[sflag:s5] =	ssyncadd.s32 $0xFFFFD900;
	s5 =	rddreg [dreg:$0x6]  }
0x58: {  	s28 =	sshrl.u32 @!p0 s5, $0x3;
	s5 =	rddreg [dreg:$0x7]  }
0x59: {  	[dreg:$0x16] =	wrdreg s28  }
0x5a: {  	[spmem:s28], [sflag:s8] =	dma.local @!p0 [hbm:s5], $0x100  }
0x5b: {  	s8 =	simm.s32 @!p0 $0xD  }
0x5c: {  	_ =	swait.ge @!p0 [sflag:s8], $0x100  }
0x5d: {  	[sflag:s8] =	ssyncset.done @!p0 $0x0  }
0x5e: {  	[sflag:s8] =	ssyncadd.s32 @!p0 $0xFFFFFF00  }
0x5f: {  	[bflag:$0x0] =	sbarrier.arrive $0xFFFF  }
0x60: {  	s8 =	rddreg [dreg:$0x8]  }
0x61: {  	[tilespmem:s3], [sflag:$0x1] =	stream.linear.gather [hbm4b:s8+s3], $0x80, $0x38;
	[tilespmem:$0x1FF00] =	vst v63  }
0x62: {  	s8 =	rddreg [dreg:$0x9]  }
0x63: {  	[tilespmem:s29], [sflag:$0x2] =	stream.linear.gather [hbm4b:s8+s3], $0x80, $0x38;
	[tilespmem:$0x1FF00] =	vst v63  }
0x64: {  	s8 =	rddreg [dreg:$0xa]  }
0x65: {  	[tilespmem:s30], [sflag:$0x3] =	stream.linear.gather [hbm4b:s8+s3], $0x80, $0x38;
	[tilespmem:$0x1FF00] =	vst v63  }
0x66: {  	s8 =	rddreg [dreg:$0xb]  }
0x67: {  	[tilespmem:s31], [sflag:$0x4] =	stream.linear.gather [hbm4b:s8+s3], $0x80, $0x38;
	[tilespmem:$0x1FF00] =	vst v63  }
0x68: {  	_ =	swait.ge [sflag:s0], $0x80  }
0x69: {  	[sflag:s0] =	ssyncset.done $0x0  }
0x6a: {  	[sflag:s0] =	ssyncadd.s32 $0xFFFFFF80  }
0x6b: {  	[tilespmem:s1], [sflag:$0x7] =	stream.indirect.gather [hbm4b:s4+s29], $0x80, s3, s29, $0xb8;
	[tilespmem:$0x1FF00] =	vst v63  }
0x6c: {  	s8 =	rddreg [dreg:$0xc]  }
0x6d: {  	[tilespmem:s6], [sflag:$0x5] =	stream.linear.gather [hbm4b:s8+s3], $0x80, $0x38;
	[tilespmem:$0x1FF00] =	vst v63  }
0x6e: {  	_ =	swait.ge [sflag:s7], $0x80  }
0x6f: {  	[sflag:s7] =	ssyncset.done $0x0  }
0x70: {  	[sflag:s7] =	ssyncadd.s32 $0xFFFFFF80  }
0x71: {  	[tilespmem:s9], [sflag:$0x8] =	stream.indirect.gather [hbm4b:s4+s29], $0x80, s29, s29, $0xb8;
	[tilespmem:$0x1FF00] =	vst v63  }
0x72: {  	s8 =	rddreg [dreg:$0xd]  }
0x73: {  	[tilespmem:s10], [sflag:$0x6] =	stream.linear.gather [hbm4b:s8+s3], $0x80, $0x38;
	[tilespmem:$0x1FF00] =	vst v63  }
0x74: {  	_ =	swait.ge [sflag:s12], $0x80  }
0x75: {  	[sflag:s12] =	ssyncset.done $0x0  }
0x76: {  	[sflag:s12] =	ssyncadd.s32 $0xFFFFFF80  }
0x77: {  	[tilespmem:s13], [sflag:$0x9] =	stream.indirect.gather [hbm4b:s4+s29], $0x80, s30, s29, $0xb8;
	[tilespmem:$0x1FF00] =	vst v63  }
0x78: {  	_ =	swait.ge [sflag:s11], $0x4000  }
0x79: {  	[sflag:s11] =	ssyncset.done $0x0  }
0x7a: {  	[sflag:s11] =	ssyncadd.s32 $0xFFFFC000  }
0x7b: {  	_ =	swait.ge [sflag:s14], $0x80  }
0x7c: {  	[sflag:s14] =	ssyncset.done $0x0  }
0x7d: {  	[sflag:s14] =	ssyncadd.s32 $0xFFFFFF80  }
0x7e: {  	[spmem:s2] =	stream.indirect.scatter.add.f32 [tilespmem:s1], [sflag:$0xA], $0x80, s31, s29, $0xb8;
	[tilespmem:$0x1FF00] =	vst v63  }
0x7f: {  	s8 =	rddreg [dreg:$0x13]  }
0x80: {  	[tilespmem:s3], [sflag:$0x1] =	stream.linear.gather [hbm4b:s8+s3], $0x80, $0x38;
	[tilespmem:$0x1FF00] =	vst v63  }
0x81: {  	s28 =	simm.s32 $0x0;
	s8 =	rddreg [dreg:$0x12]  }
.LBB2_2:
0x82: {  	_ =	swait.ge [sflag:s15], $0x4000  }
0x83: {  	s5 =	sshrl.u32 s8, $0x3;
	[sflag:s15] =	ssyncset.done $0x0  }
0x84: {  	s5 =	sadd.s32 s20, s5;
	[sflag:s15] =	ssyncadd.s32 $0xFFFFC000  }
0x85: {  	[tilespmem:s31], [sflag:$0x4] =	stream.linear.gather [hbm4b:s5+s3], $0x80, $0x38;
	[tilespmem:$0x1FF00] =	vst v63  }
0x86: {  	_ =	swait.ge [sflag:s0], $0x80  }
0x87: {  	[sflag:s0] =	ssyncset.done $0x0  }
0x88: {  	[sflag:s0] =	ssyncadd.s32 $0xFFFFFF80  }
0x89: {  	[tilespmem:s1], [sflag:$0x7] =	stream.indirect.gather [hbm4b:s4+s29], $0x80, s3, s29, $0xb8;
	[tilespmem:$0x1FF00] =	vst v63  }
0x8a: {  	_ =	swait.ge [sflag:s16], $0x4000  }
0x8b: {  	[sflag:s16] =	ssyncset.done $0x0  }
0x8c: {  	[sflag:s16] =	ssyncadd.s32 $0xFFFFC000  }
0x8d: {  	_ =	swait.ge [sflag:s17], $0x80  }
0x8e: {  	[sflag:s17] =	ssyncset.done $0x0  }
0x8f: {  	[sflag:s17] =	ssyncadd.s32 $0xFFFFFF80  }
0x90: {  	[spmem:s2] =	stream.indirect.scatter.add.f32 [tilespmem:s9], [sflag:$0xB], $0x80, s6, s29, $0xb8;
	[tilespmem:$0x1FF00] =	vst v63  }
0x91: {  	s5 =	sadd.s32 s28, s23  }
0x92: {  	[tilespmem:s29], [sflag:$0x2] =	stream.linear.gather [hbm4b:s5+s3], $0x80, $0x38;
	[tilespmem:$0x1FF00] =	vst v63  }
0x93: {  	_ =	swait.ge [sflag:s18], $0x4000  }
0x94: {  	[sflag:s18] =	ssyncset.done $0x0  }
0x95: {  	s5 =	sadd.s32 s28, s24;
	[sflag:s18] =	ssyncadd.s32 $0xFFFFC000  }
0x96: {  	[tilespmem:s6], [sflag:$0x5] =	stream.linear.gather [hbm4b:s5+s3], $0x80, $0x38;
	[tilespmem:$0x1FF00] =	vst v63  }
0x97: {  	_ =	swait.ge [sflag:s7], $0x80  }
0x98: {  	[sflag:s7] =	ssyncset.done $0x0  }
0x99: {  	[sflag:s7] =	ssyncadd.s32 $0xFFFFFF80  }
0x9a: {  	[tilespmem:s9], [sflag:$0x8] =	stream.indirect.gather [hbm4b:s4+s29], $0x80, s29, s29, $0xb8;
	[tilespmem:$0x1FF00] =	vst v63  }
0x9b: {  	_ =	swait.ge [sflag:s19], $0x4000  }
0x9c: {  	[sflag:s19] =	ssyncset.done $0x0  }
0x9d: {  	[sflag:s19] =	ssyncadd.s32 $0xFFFFC000  }
0x9e: {  	_ =	swait.ge [sflag:s25], $0x80  }
0x9f: {  	[sflag:s25] =	ssyncset.done $0x0  }
0xa0: {  	[sflag:s25] =	ssyncadd.s32 $0xFFFFFF80  }
0xa1: {  	[spmem:s2] =	stream.indirect.scatter.add.f32 [tilespmem:s13], [sflag:$0xC], $0x80, s10, s29, $0xb8;
	[tilespmem:$0x1FF00] =	vst v63  }
0xa2: {  	s5 =	sadd.s32 s28, s22  }
0xa3: {  	[tilespmem:s30], [sflag:$0x3] =	stream.linear.gather [hbm4b:s5+s3], $0x80, $0x38;
	[tilespmem:$0x1FF00] =	vst v63  }
0xa4: {  	_ =	swait.ge [sflag:s26], $0x4000  }
0xa5: {  	[sflag:s26] =	ssyncset.done $0x0  }
0xa6: {  	s5 =	sadd.s32 s28, s21;
	[sflag:s26] =	ssyncadd.s32 $0xFFFFC000  }
0xa7: {  	[tilespmem:s10], [sflag:$0x6] =	stream.linear.gather [hbm4b:s5+s3], $0x80, $0x38;
	[tilespmem:$0x1FF00] =	vst v63  }
0xa8: {  	_ =	swait.ge [sflag:s12], $0x80  }
0xa9: {  	[sflag:s12] =	ssyncset.done $0x0  }
0xaa: {  	[sflag:s12] =	ssyncadd.s32 $0xFFFFFF80  }
0xab: {  	[tilespmem:s13], [sflag:$0x9] =	stream.indirect.gather [hbm4b:s4+s29], $0x80, s30, s29, $0xb8;
	[tilespmem:$0x1FF00] =	vst v63  }
0xac: {  	_ =	swait.ge [sflag:s11], $0x4000  }
0xad: {  	p1 =	seq.s32 s28, $0x4B0;
	[sflag:s11] =	ssyncset.done $0x0  }
.Ltmp2:
0xae: {  	[sflag:s11] =	ssyncadd.s32 $0xFFFFC000;
	(pc) =	sbr.rel @p1 .LBB2_4-.Ltmp2, $4  }
0xaf: {  	_ =	swait.ge [sflag:s14], $0x80  }
0xb0: {  	[sflag:s14] =	ssyncset.done $0x0  }
0xb1: {  	[sflag:s14] =	ssyncadd.s32 $0xFFFFFF80  }
0xb2: {  	[spmem:s2] =	stream.indirect.scatter.add.f32 [tilespmem:s1], [sflag:$0xA], $0x80, s31, s29, $0xb8;
	[tilespmem:$0x1FF00] =	vst v63  }
.Ltmp3:
0xb3: {  	(pc) =	sbr.rel .LBB2_2-.Ltmp3, $4  }
0xb4: {  	_ = 	snop  }
0xb5: {  	s5 =	rddreg [dreg:$0x11]  }
0xb6: {  	s8 =	sadd.s32 $0x180, s8;
	s5 =	sadd.s32 s28, s5;
	s28 =	sadd.s32 $0x30, s28  }
0xb7: {  	[tilespmem:s3], [sflag:$0x1] =	stream.linear.gather [hbm4b:s5+s3], $0x80, $0x38;
	[tilespmem:$0x1FF00] =	vst v63  }
.LBB2_5:
0xb8: {  	_ =	sfence.sel $0x180000  }
0xb9: {  	[bflag:$0x0] =	sbarrier.arrive $0xFFFF  }
0xba: {  	_ =	strace $0x9000004A  }
0xbb: {  	s0 =	stileid.u32;
	[bflag:$0x2] =	sbarrier.arrive $0xFFFF  }
0xbc: {  	p0 =	sne.s32 s0, $0x0;
	s0 =	rddreg [dreg:$0x2]  }
0xbd: {  	s0 =	sadd.s32 @!p0 $0x100000, s0  }
0xbe: {  	[sflag:s0] =	ssyncadd.tile.s32 @!p0 $0x1;
	_ =	shalt  }
.Lfunc_end2:
_tile_overlayer_lowered:
.L_overlay_start_2:
0xbf: {  	(tag) =	ssettag $0x2  }
0xc0: {  	s0 =	rddreg [dreg:$0x0];
	s2 =	stileid.u32  }
0xc1: {  	s1 =	rddreg [dreg:$0x1];
	p0 =	sne.s32 s2, $0x0  }
0xc2: {  	s3 =	rddreg [dreg:$0x2];
	[bflag:$0x3] =	sbarrier.arrive $0xFFFF;
	s2 =	simm.s32 @!p0 $0x1C0D  }
0xc3: {  	[timem:s3], [sflag:s2] =	dma.local @!p0 [hbm:s0], s1  }
0xc4: {  	s0 =	simm.s32 @!p0 $0xD  }
0xc5: {  	_ =	swait.ge @!p0 [sflag:s0], s1  }
0xc6: {  	s1 =	ssub.s32 @!p0 $0x0, s1;
	[sflag:s0] =	ssyncset.done @!p0 $0x0  }
0xc7: {  	[sflag:s0] =	ssyncadd.s32 @!p0 s1  }
0xc8: {  	[bflag:$0x3] =	sbarrier.arrive $0xFFFF  }
0xc9: {  	_ =	shalt  }

// kernel: kernel.15.cloned.1.call-start
scs
__scs_entry_jumppad:
0x0: {  	(pc) =	sbr.rel $0x88, $3  }
0x1: {  	(tag) =	ssettag $0x0;
	lr =	simm.s32 $0x1  }
0x2: {  	[smem:$0x3F9C] =	sst lr;
	_ =	strace $0xD0000000  }
0x3: {  	_ = 	snop  }
0x4: {  	_ = 	snop  }
0x5: {  	_ = 	snop  }
0x6: {  	_ = 	snop  }
0x7: {  	_ = 	snop  }
__scs_overlays_trampoline_lowered:
0x8: {  	[smem:$0x3FAB] =	sst s0  }
0x9: {  	[smem:$0x3FAC] =	sst s1  }
0xa: {  	[smem:$0x3FAD] =	sst s2  }
0xb: {  	[smem:$0x3FAE] =	sst s3  }
0xc: {  	[smem:$0x3FAF] =	sst s4  }
0xd: {  	[smem:$0x3FB0] =	sst s5  }
0xe: {  	[smem:$0x3FB1] =	sst s6  }
0xf: {  	[smem:$0x3FB2] =	sst s7  }
0x10: {  	[smem:$0x3FB3] =	sst s8  }
0x11: {  	[smem:$0x3FB4] =	sst s9;
	s0 =	simm.s32 @!p0 $0x0  }
0x12: {  	s1 =	sld [smem:$0x3F9A];
	s0 =	simm.s32 @p0 $0x1  }
0x13: {  	[smem:$0x3FB5] =	sst s0;
	s0 =	simm.s32 @!p1 $0x0  }
0x14: {  	s2 =	sld [smem:$0x3F99];
	s0 =	simm.s32 @p1 $0x1  }
0x15: {  	[smem:$0x3FB6] =	sst s0;
	s0 =	simm.s32 @!p2 $0x0  }
0x16: {  	s3 =	sld [smem:$0x3FDB];
	s0 =	simm.s32 @p2 $0x1  }
0x17: {  	s4 =	simm.s32 $0x1BF5;
	[smem:$0x3FB8] =	sst s0  }
0x18: {  	s0 =	sld [smem:$0x3F9B];
	_ =	swait.ge [sflag:s4], $0x0  }
0x19: {  	s7 =	sld [smem:$0x3F9C]  }
0x1a: {  	s8 =	sadd.s32 $0xFFFFE003, lr  }
0x1b: {  	s9 =	sadd.s32 $0xFFFFFEF7, lr;
	s5 =	simm.s32 $0xFFFFFFFF;
	p2 =	slt.u32 s8, $0xFFFFF086  }
0x1c: {  	p1 =	slt.u32 s9, $0xF7A;
	s5 =	simm.s32 @!p2 $0x0  }
0x1d: {  	s5 =	simm.s32 @p1 $0x1;
	p0 =	seq.s32 s7, s2  }
0x1e: {  	s7 =	smul.u32 @!p0 $0xF7A, s2;
	p2 =	seq.s32 @!p0 s5, $0x0  }
0x1f: {  	s9 =	smul.u32 $0xF7A, s1;
	s8 =	simm.s32 @!p0 $0x1BF5;
	p2 =	por !p2, p0  }
0x20: {  	[sflag:s8] =	ssyncset.s32 @!p0 $0xFFFFF086;
	s6 =	sadd.s32 @!p0 s3, s7;
	s7 =	simm.s32 @!p0 $0x108  }
0x21: {  	s3 =	sadd.s32 s3, s9;
	s6 =	sadd.s32 @!p0 $0x88, s6;
	s7 =	simm.s32 @p2 $0x1082  }
0x22: {  	[simem:s7], [sflag:s8] =	dma.local @!p0 [hbm:s6], $0xF7A  }
0x23: {  	s9 =	sor.u32 $0xD0000000, s2;
	s6 =	simm.s32 $0x108;
	_ =	swait.ge @!p0 [sflag:s8], $0x0  }
0x24: {  	s3 =	sadd.s32 $0x88, s3;
	s6 =	simm.s32 @!p1 $0x1082;
	[sflag:s4] =	ssyncset.s32 $0xFFFFF086  }
0x25: {  	[simem:s6], [sflag:s4] =	dma.local [hbm:s3], $0xF7A  }
0x26: {  	[smem:$0x3F9C] =	sst s1;
	(tag) =	ssettag s2;
	_ =	strace s9  }
0x27: {  	s1 =	sld [smem:$0x3FAC]  }
0x28: {  	s2 =	sld [smem:$0x3FAD]  }
0x29: {  	s4 =	sld [smem:$0x3FAF]  }
0x2a: {  	p0 =	seq.s32 s5, $0x0;
	s5 =	sld [smem:$0x3FB0]  }
0x2b: {  	s6 =	sld [smem:$0x3FB1]  }
0x2c: {  	s7 =	sld [smem:$0x3FB2]  }
0x2d: {  	s3 =	simm.s32 $0x108;
	s8 =	sld [smem:$0x3FB3]  }
0x2e: {  	s3 =	simm.s32 @!p0 $0x1082;
	s9 =	sld [smem:$0x3FB4]  }
0x2f: {  	lr =	sadd.s32 s0, s3;
	s0 =	sld [smem:$0x3FAB]  }
0x30: {  	s3 =	sld [smem:$0x3FAE]  }
0x31: {  	[smem:$0x3FB7] =	sst s10  }
0x32: {  	s10 =	sld [smem:$0x3FB5];
	_ =	sdelay $0x3  }
0x33: {  	p0 =	seq.s32 s10, $0x1;
	s10 =	sld [smem:$0x3FB7];
	_ =	sdelay $0x3  }
0x34: {  	[smem:$0x3FB7] =	sst s10  }
0x35: {  	s10 =	sld [smem:$0x3FB6];
	_ =	sdelay $0x3  }
0x36: {  	p1 =	seq.s32 s10, $0x1;
	s10 =	sld [smem:$0x3FB7];
	_ =	sdelay $0x3  }
0x37: {  	[smem:$0x3FB7] =	sst s10  }
0x38: {  	s10 =	sld [smem:$0x3FB8]  }
0x39: {  	_ = 	snop;
	(pc) =	sbr.ind lr, $3  }
0x3a: {  	_ = 	snop  }
0x3b: {  	_ = 	snop  }
0x3c: {  	p2 =	seq.s32 s10, $0x1;
	s10 =	sld [smem:$0x3FB7]  }
0x3d: {  	_ =	shalt  }
0x3e: {  	_ =	shalt  }
0x3f: {  	_ =	shalt  }
0x40: {  	_ =	shalt  }
0x41: {  	_ =	shalt  }
0x42: {  	_ =	shalt  }
0x43: {  	_ =	shalt  }
0x44: {  	_ =	shalt  }
0x45: {  	_ =	shalt  }
0x46: {  	_ =	shalt  }
0x47: {  	_ =	shalt  }
0x48: {  	_ =	shalt  }
0x49: {  	_ =	shalt  }
0x4a: {  	_ =	shalt  }
0x4b: {  	_ =	shalt  }
0x4c: {  	_ =	shalt  }
0x4d: {  	_ =	shalt  }
0x4e: {  	_ =	shalt  }
0x4f: {  	_ =	shalt  }
0x50: {  	_ =	shalt  }
0x51: {  	_ =	shalt  }
0x52: {  	_ =	shalt  }
0x53: {  	_ =	shalt  }
0x54: {  	_ =	shalt  }
0x55: {  	_ =	shalt  }
0x56: {  	_ =	shalt  }
0x57: {  	_ =	shalt  }
0x58: {  	_ =	shalt  }
0x59: {  	_ =	shalt  }
0x5a: {  	_ =	shalt  }
0x5b: {  	_ =	shalt  }
0x5c: {  	_ =	shalt  }
0x5d: {  	_ =	shalt  }
0x5e: {  	_ =	shalt  }
0x5f: {  	_ =	shalt  }
0x60: {  	_ =	shalt  }
0x61: {  	_ =	shalt  }
0x62: {  	_ =	shalt  }
0x63: {  	_ =	shalt  }
0x64: {  	_ =	shalt  }
0x65: {  	_ =	shalt  }
0x66: {  	_ =	shalt  }
0x67: {  	_ =	shalt  }
0x68: {  	_ =	shalt  }
0x69: {  	_ =	shalt  }
0x6a: {  	_ =	shalt  }
0x6b: {  	_ =	shalt  }
0x6c: {  	_ =	shalt  }
0x6d: {  	_ =	shalt  }
0x6e: {  	_ =	shalt  }
0x6f: {  	_ =	shalt  }
0x70: {  	_ =	shalt  }
0x71: {  	_ =	shalt  }
0x72: {  	_ =	shalt  }
0x73: {  	_ =	shalt  }
0x74: {  	_ =	shalt  }
0x75: {  	_ =	shalt  }
0x76: {  	_ =	shalt  }
0x77: {  	_ =	shalt  }
0x78: {  	_ =	shalt  }
0x79: {  	_ =	shalt  }
0x7a: {  	_ =	shalt  }
0x7b: {  	_ =	shalt  }
0x7c: {  	_ =	shalt  }
0x7d: {  	_ =	shalt  }
0x7e: {  	_ =	shalt  }
0x7f: {  	_ =	shalt  }
0x80: {  	_ =	shalt  }
0x81: {  	_ =	shalt  }
0x82: {  	_ =	shalt  }
0x83: {  	_ =	shalt  }
0x84: {  	_ =	shalt  }
0x85: {  	_ =	shalt  }
0x86: {  	_ =	shalt  }
0x87: {  	_ =	shalt  }
.Lfunc_end0:
.L_simem_size_0:
called_computation.2_lowered:
.L_overlay_start_0:
0x88: {  	s2 =	sld [smem:$0x3FD9]  }
0x89: {  	s3 =	sld [smem:$0x3FFE];
	_ =	sdelay $0x1  }
0x8a: {  	s1 =	srdreg.scid  }
0x8b: {  	s0 =	sand.u32 $0x1, s1  }
0x8c: {  	s16 =	sshll.u32 s0, $0xA;
	s2 =	sadd.s32 s3, s2  }
0x8d: {  	s2 =	sadd.s32 s2, s16  }
0x8e: {  	[smem:$0x3FC3] =	sst s2  }
0x8f: {  	_ = 	snop  }
0x90: {  	(tm) =	ssettm $0x1  }
0x91: {  	s17 =	sld [smem:$0x3FFB];
	_ =	sdelay $0x3  }
0x92: {  	_ =	strace s17  }
0x93: {  	s2 =	sld [smem:$0x3FFC];
	_ =	sdelay $0x3  }
0x94: {  	_ =	strace s2  }
0x95: {  	s2 =	sld [smem:$0x3FFD];
	_ =	sdelay $0x3  }
0x96: {  	_ =	strace s2  }
0x97: {  	_ =	strace $0x8FFFFFFF  }
0x98: {  	s18 =	sld [smem:$0x3FDB];
	_ =	sdelay $0x1  }
0x99: {  	s19 =	simm.s32 $_scs_section_size  }
0x9a: {  	s4 =	simm.s32 $_size__tile_overlayer_lowered;
	s5 =	simm.s32 $_tile_overlayer_lowered  }
0x9b: {  	s22 =	simm.s32 $0x1BFF;
	s21 =	sshll.u32 s5, $0x1;
	s2 =	sadd.s32 s19, s18  }
0x9c: {  	s6 =	simm.s32 $0x0;
	s20 =	sshll.u32 s4, $0x1;
	s4 =	sadd.s32 s21, s2  }
0x9d: {  	[timem:s6], [sflag:s22] =	dma.local [hbm:s4], s20  }
0x9e: {  	_ =	swait.ge [sflag:s22], s20  }
0x9f: {  	s3 =	ssub.s32 $0x0, s20;
	[sflag:s22] =	ssyncset.done $0x0  }
0xa0: {  	[sflag:s22] =	ssyncadd.s32 s3;
	_ =	sdelay $0x1  }
0xa1: {  	s23 =	simm.s32 $0x1B8B  }
0xa2: {  	_ =	swait.ge [sflag:s23], $0x1  }
0xa3: {  	[sflag:s23] =	ssyncset.done $0x0  }
0xa4: {  	s25 =	simm.s32 $0x1B8E;
	s24 =	sld [smem:$0x3FFE];
	[sflag:s23] =	ssyncadd.s32 $0xFFFFFFFF  }
0xa5: {  	s26 =	simm.s32 $execute0_lowered;
	[smem:$0x3FD2] =	sst s25  }
0xa6: {  	s4 =	sshll.u32 s26, $0x1;
	_ =	strace $0x8000004C;
	[dreg:$0x1] =	wrdreg $0xFFFFFFFF  }
0xa7: {  	s28 =	simm.s32 $_size_execute0_lowered;
	s2 =	sadd.s32 s2, s4;
	[dreg:$0x0] =	wrdreg $0x0  }
0xa8: {  	s4 =	sshll.u32 s28, $0x1;
	[dreg:$0x2] =	wrdreg s2  }
0xa9: {  	[dreg:$0x3] =	wrdreg s4  }
0xaa: {  	[dreg:$0x4] =	wrdreg $0xC0  }
0xab: {  	_ =	task [dreg:s6], $0x5FFFF  }
0xac: {  	[dreg:$0x1] =	wrdreg $0xFFFFFFFF  }
0xad: {  	[dreg:$0x0] =	wrdreg $0x60  }
0xae: {  	[dreg:$0x2] =	wrdreg s24  }
0xaf: {  	[dreg:$0x3] =	wrdreg $0xC3000  }
0xb0: {  	[dreg:$0x4] =	wrdreg $0x9  }
0xb1: {  	_ =	task.clear_ibuf [dreg:s6], $0x5FFFF;
	_ =	strace $0x9000004C  }
0xb2: {  	s29 =	simm.s32 $0x9;
	_ =	strace $0x8000004E  }
0xb3: {  	_ =	swait.ge [sflag:s29], $0x1  }
0xb4: {  	[sflag:s29] =	ssyncadd.s32 $0xFFFFFFFF  }
0xb5: {  	_ =	strace $0x9000004E  }
0xb6: {  	_ =	sfence  }
0xb7: {  	s30 =	sld [smem:$0x0];
	_ =	sdelay $0x2  }
0xb8: {  	s31 =	sshll.u32 s1, $0xD;
	s1 =	sshrl.u32 s1, $0x2  }
0xb9: {  	s3 =	sand.u32 $0x4000, s31;
	s1 =	sadd.s32 s1, s30  }
0xba: {  	s0 =	sor.u32 s3, s0;
	s1 =	sshll.u32 s1, $0x11  }
0xbb: {  	s0 =	sor.u32 s1, s0  }
0xbc: {  	s0 =	sadd.s32 $0x8F2B, s0  }
0xbd: {  	[sflag:s0] =	ssyncadd.remote.s32 $0x1  }
0xbe: {  	_ =	sfence.sel $0xFFFF  }
0xbf: {  	[dreg:$0x0] =	wrdreg $0xFFFFFFFF;
	(pc) =	sbr.abs _section_cstart, $3  }
0xc0: {  	[dreg:$0x1] =	wrdreg $0xFFFFFFFF  }
0xc1: {  	_ =	task.clear_ibuf [dreg:s6], $0x2FFFF;
	_ =	strace $0x9FFFFFFF  }
0xc2: {  	(tm) =	ssettm $0x7FFFFFFF  }
0xc3: {  	_ =	shalt  }
tec
execute0_lowered:
.L_overlay_start_1:
0x0: {  	(tag) =	ssettag $0x1  }
0x1: {  	s0 =	rddreg [dreg:$0x0]  }
0x2: {  	s2 =	rddreg [dreg:$0x1]  }
0x3: {  	s3 =	simm.s32 $0x0;
	s5 =	stileid.u32;
	s7 =	srdreg.scid  }
0x4: {  	s29 =	simm.s32 $0x80;
	s30 =	simm.s32 $0x100;
	s31 =	simm.s32 $0x180  }
0x5: {  	[smem:$0x7FF] =	sst s3;
	s1 =	smul.u32 $0x13800, s5;
	s4 =	sadd.s32 $0x96000, s0  }
0x6: {  	s6 =	sadd.s32 $0x8BE00, s0;
	s14 =	sadd.s32 $0x81C00, s0;
	s7 =	sand.u32 $0x1, s7  }
0x7: {  	s10 =	smul.u32 $0x4E000, s5;
	s11 =	sadd.s32 $0xBD200, s0;
	s20 =	sshll.u32 s5, $0x6  }
0x8: {  	s23 =	sadd.s32 $0x138000, s2;
	s16 =	smul.u32 $0x2880, s5;
	p0 =	sne.s32 s5, $0xF  }
0x9: {  	_ =	strace $0x8000004D;
	s9 =	sshll.u32 s7, $0x4;
	s12 =	ssub.s32 $0x2, s7  }
0xa: {  	s21 =	sor.u32 $0x1C0D, s20;
	[dreg:$0x6] =	wrdreg s23;
	s26 =	smul.u32 $0x138800, s7  }
0xb: {  	s7 =	smul.u32 $0x28800, s7;
	s8 =	sshrl.u32 s1, $0x3;
	s9 =	sor.u32 s5, s9  }
0xc: {  	s13 =	sshrl.u32 s12, $0x1;
	s10 =	sshrl.u32 s10, $0x2;
	[dreg:$0x5] =	wrdreg s21  }
0xd: {  	s8 =	sadd.s32 s8, s0;
	s9 =	smul.u32 $0x2880, s9;
	s12 =	ssub.s32 s12, s13  }
0xe: {  	s10 =	sadd.s32 s10, s2;
	s0 =	sadd.s32 $0x33000, s0;
	s1 =	sadd.s32 s1, s26  }
0xf: {  	s18 =	sshrl.u32 s26, $0x3;
	[dreg:$0x3] =	wrdreg s10;
	s8 =	sadd.s32 $0xC000, s8  }
0x10: {  	[dreg:$0x7] =	wrdreg s0;
	s1 =	sshrl.u32 s1, $0x3;
	s21 =	smax.u32 s12, $0x1  }
0x11: {  	s10 =	simm.s32 $0x280;
	s12 =	simm.s32 $0x3;
	[dreg:$0x4] =	wrdreg s8  }
0x12: {  	s22 =	sshrl.u32 s9, $0x3;
	s1 =	sadd.s32 s11, s1;
	[dreg:$0x10] =	wrdreg s21  }
0x13: {  	s9 =	simm.s32 $0x4300;
	s8 =	sadd.s32 s14, s22;
	[dreg:$0xe] =	wrdreg s1  }
0x14: {  	s13 =	sadd.s32 s6, s22;
	s24 =	sadd.s32 $0x10, s22;
	[dreg:$0xb] =	wrdreg s8  }
0x15: {  	s25 =	sadd.s32 $0x20, s22;
	s15 =	sadd.s32 s6, s24;
	[dreg:$0x8] =	wrdreg s13  }
0x16: {  	s28 =	sadd.s32 s6, s25;
	s0 =	sadd.s32 s14, s24;
	[dreg:$0x9] =	wrdreg s15  }
0x17: {  	s17 =	sadd.s32 s14, s25;
	s8 =	sadd.s32 s11, s18;
	[dreg:$0xa] =	wrdreg s28  }
0x18: {  	s26 =	sadd.s32 $0x30, s13;
	s13 =	simm.s32 $0x8300;
	[dreg:$0xc] =	wrdreg s0  }
0x19: {  	s11 =	simm.s32 $0x7;
	s18 =	simm.s32 $0xB;
	[dreg:$0xd] =	wrdreg s17  }
0x1a: {  	s0 =	sadd.s32 s16, s7;
	s19 =	sadd.s32 $0x27000, s8;
	[dreg:$0x13] =	wrdreg s26  }
0x1b: {  	s7 =	simm.s32 $0x2;
	s15 =	simm.s32 $0xA;
	s16 =	simm.s32 $0x8  }
0x1c: {  	s17 =	simm.s32 $0x5;
	s26 =	simm.s32 $0xC;
	s28 =	simm.s32 $0x0  }
0x1d: {  	[dreg:$0xf] =	wrdreg s19;
	s20 =	sadd.s32 $0x300, s0;
	s22 =	sadd.s32 $0x280, s0  }
0x1e: {  	s24 =	sadd.s32 $0x200, s0;
	s0 =	sadd.s32 $0x180, s0;
	s19 =	simm.s32 $0x9  }
0x1f: {  	[dreg:$0x14] =	wrdreg s28;
	s1 =	sshrl.u32 s20, $0x3;
	s23 =	sshrl.u32 s22, $0x3  }
.Ltmp0:
0x20: {  	s25 =	sshrl.u32 s24, $0x3;
	s20 =	smov.u32 s14;
	(pc) =	sbr.rel .LBB2_1-.Ltmp0, $4  }
0x21: {  	[dreg:$0x12] =	wrdreg s0;
	s0 =	simm.s32 $0x1;
	s1 =	sadd.s32 s1, s6  }
0x22: {  	s21 =	sadd.s32 s23, s14;
	s22 =	sadd.s32 s23, s6;
	s23 =	sadd.s32 s25, s6  }
0x23: {  	s24 =	sadd.s32 s25, s14;
	s6 =	simm.s32 $0x200;
	s14 =	simm.s32 $0x4  }
0x24: {  	s25 =	simm.s32 $0x6;
	[dreg:$0x11] =	wrdreg s1;
	s1 =	simm.s32 $0x300  }
.LBB2_4:
0x25: {  	_ =	swait.ge [sflag:s16], $0x4000  }
0x26: {  	[sflag:s16] =	ssyncset.done $0x0  }
0x27: {  	[sflag:s16] =	ssyncadd.s32 $0xFFFFC000  }
0x28: {  	_ =	swait.ge [sflag:s17], $0x80  }
0x29: {  	[sflag:s17] =	ssyncset.done $0x0  }
0x2a: {  	[sflag:s17] =	ssyncadd.s32 $0xFFFFFF80  }
0x2b: {  	[spmem:s2] =	stream.indirect.scatter.add.f32 [tilespmem:s9], [sflag:$0xB], $0x80, s6, s29, $0xb8;
	[tilespmem:$0x1FF00] =	vst v63  }
0x2c: {  	_ =	swait.ge [sflag:s19], $0x4000  }
0x2d: {  	[sflag:s19] =	ssyncset.done $0x0  }
0x2e: {  	[sflag:s19] =	ssyncadd.s32 $0xFFFFC000  }
0x2f: {  	_ =	swait.ge [sflag:s25], $0x80  }
0x30: {  	[sflag:s25] =	ssyncset.done $0x0  }
0x31: {  	[sflag:s25] =	ssyncadd.s32 $0xFFFFFF80  }
0x32: {  	[spmem:s2] =	stream.indirect.scatter.add.f32 [tilespmem:s13], [sflag:$0xC], $0x80, s10, s29, $0xb8;
	[tilespmem:$0x1FF00] =	vst v63  }
0x33: {  	_ =	swait.ge [sflag:s15], $0x4000  }
0x34: {  	[sflag:s15] =	ssyncset.done $0x0  }
0x35: {  	[sflag:s15] =	ssyncadd.s32 $0xFFFFC000  }
0x36: {  	_ =	swait.ge [sflag:s18], $0x4000  }
0x37: {  	[sflag:s18] =	ssyncset.done $0x0  }
0x38: {  	[sflag:s18] =	ssyncadd.s32 $0xFFFFC000  }
0x39: {  	_ =	swait.ge [sflag:s26], $0x4000  }
0x3a: {  	[sflag:s26] =	ssyncset.done $0x0  }
0x3b: {  	[sflag:s26] =	ssyncadd.s32 $0xFFFFC000  }
0x3c: {  	[bflag:$0x0] =	sbarrier.arrive $0xFFFF  }
0x3d: {  	s28 =	rddreg [dreg:$0x5]  }
0x3e: {  	s5 =	rddreg [dreg:$0xe]  }
0x3f: {  	s8 =	rddreg [dreg:$0x15]  }
0x40: {  	[hbm:s5], [sflag:s28] =	dma.local [spmem:s8], $0x2700  }
0x41: {  	s8 =	simm.s32 $0xD  }
0x42: {  	_ =	swait.ge [sflag:s8], $0x2700  }
0x43: {  	[sflag:s8] =	ssyncset.done $0x0;
	s5 =	rddreg [dreg:$0xf]  }
0x44: {  	[sflag:s8] =	ssyncadd.s32 $0xFFFFD900;
	s8 =	rddreg [dreg:$0x16]  }
0x45: {  	[hbm:s5], [sflag:s28] =	dma.local @!p0 [spmem:s8], $0x100  }
0x46: {  	s5 =	simm.s32 @!p0 $0xD  }
0x47: {  	_ =	swait.ge @!p0 [sflag:s5], $0x100  }
0x48: {  	s8 =	rddreg [dreg:$0x14]  }
0x49: {  	s28 =	sadd.s32 $0x1, s8;
	s8 =	rddreg [dreg:$0x10]  }
0x4a: {  	p1 =	sne.s32 s28, s8  }
.Ltmp1:
0x4b: {  	_ = 	snop;
	(pc) =	sbr.rel @!p1 .LBB2_5-.Ltmp1, $3  }
0x4c: {  	_ =	sdelay $0x1  }
0x4d: {  	[sflag:s5] =	ssyncset.done @!p0 $0x0  }
0x4e: {  	[sflag:s5] =	ssyncadd.s32 @!p0 $0xFFFFFF00;
	[dreg:$0x14] =	wrdreg s28  }
.LBB2_1:
0x4f: {  	s5 =	rddreg [dreg:$0x3]  }
0x50: {  	s8 =	rddreg [dreg:$0x5]  }
0x51: {  	s28 =	sshrl.u32 s5, $0x3;
	s5 =	rddreg [dreg:$0x4]  }
0x52: {  	[dreg:$0x15] =	wrdreg s28  }
0x53: {  	[spmem:s28], [sflag:s8] =	dma.local [hbm:s5], $0x2700  }
0x54: {  	s5 =	simm.s32 $0xD  }
0x55: {  	_ =	swait.ge [sflag:s5], $0x2700  }
0x56: {  	[sflag:s5] =	ssyncset.done $0x0  }
0x57: {  	[sflag:s5] =	ssyncadd.s32 $0xFFFFD900;
	s5 =	rddreg [dreg:$0x6]  }
0x58: {  	s28 =	sshrl.u32 @!p0 s5, $0x3;
	s5 =	rddreg [dreg:$0x7]  }
0x59: {  	[dreg:$0x16] =	wrdreg s28  }
0x5a: {  	[spmem:s28], [sflag:s8] =	dma.local @!p0 [hbm:s5], $0x100  }
0x5b: {  	s8 =	simm.s32 @!p0 $0xD  }
0x5c: {  	_ =	swait.ge @!p0 [sflag:s8], $0x100  }
0x5d: {  	[sflag:s8] =	ssyncset.done @!p0 $0x0  }
0x5e: {  	[sflag:s8] =	ssyncadd.s32 @!p0 $0xFFFFFF00  }
0x5f: {  	[bflag:$0x0] =	sbarrier.arrive $0xFFFF  }
0x60: {  	s8 =	rddreg [dreg:$0x8]  }
0x61: {  	[tilespmem:s3], [sflag:$0x1] =	stream.linear.gather [hbm4b:s8+s3], $0x80, $0x38;
	[tilespmem:$0x1FF00] =	vst v63  }
0x62: {  	s8 =	rddreg [dreg:$0x9]  }
0x63: {  	[tilespmem:s29], [sflag:$0x2] =	stream.linear.gather [hbm4b:s8+s3], $0x80, $0x38;
	[tilespmem:$0x1FF00] =	vst v63  }
0x64: {  	s8 =	rddreg [dreg:$0xa]  }
0x65: {  	[tilespmem:s30], [sflag:$0x3] =	stream.linear.gather [hbm4b:s8+s3], $0x80, $0x38;
	[tilespmem:$0x1FF00] =	vst v63  }
0x66: {  	s8 =	rddreg [dreg:$0xb]  }
0x67: {  	[tilespmem:s31], [sflag:$0x4] =	stream.linear.gather [hbm4b:s8+s3], $0x80, $0x38;
	[tilespmem:$0x1FF00] =	vst v63  }
0x68: {  	_ =	swait.ge [sflag:s0], $0x80  }
0x69: {  	[sflag:s0] =	ssyncset.done $0x0  }
0x6a: {  	[sflag:s0] =	ssyncadd.s32 $0xFFFFFF80  }
0x6b: {  	[tilespmem:s1], [sflag:$0x7] =	stream.indirect.gather [hbm4b:s4+s29], $0x80, s3, s29, $0xb8;
	[tilespmem:$0x1FF00] =	vst v63  }
0x6c: {  	s8 =	rddreg [dreg:$0xc]  }
0x6d: {  	[tilespmem:s6], [sflag:$0x5] =	stream.linear.gather [hbm4b:s8+s3], $0x80, $0x38;
	[tilespmem:$0x1FF00] =	vst v63  }
0x6e: {  	_ =	swait.ge [sflag:s7], $0x80  }
0x6f: {  	[sflag:s7] =	ssyncset.done $0x0  }
0x70: {  	[sflag:s7] =	ssyncadd.s32 $0xFFFFFF80  }
0x71: {  	[tilespmem:s9], [sflag:$0x8] =	stream.indirect.gather [hbm4b:s4+s29], $0x80, s29, s29, $0xb8;
	[tilespmem:$0x1FF00] =	vst v63  }
0x72: {  	s8 =	rddreg [dreg:$0xd]  }
0x73: {  	[tilespmem:s10], [sflag:$0x6] =	stream.linear.gather [hbm4b:s8+s3], $0x80, $0x38;
	[tilespmem:$0x1FF00] =	vst v63  }
0x74: {  	_ =	swait.ge [sflag:s12], $0x80  }
0x75: {  	[sflag:s12] =	ssyncset.done $0x0  }
0x76: {  	[sflag:s12] =	ssyncadd.s32 $0xFFFFFF80  }
0x77: {  	[tilespmem:s13], [sflag:$0x9] =	stream.indirect.gather [hbm4b:s4+s29], $0x80, s30, s29, $0xb8;
	[tilespmem:$0x1FF00] =	vst v63  }
0x78: {  	_ =	swait.ge [sflag:s11], $0x4000  }
0x79: {  	[sflag:s11] =	ssyncset.done $0x0  }
0x7a: {  	[sflag:s11] =	ssyncadd.s32 $0xFFFFC000  }
0x7b: {  	_ =	swait.ge [sflag:s14], $0x80  }
0x7c: {  	[sflag:s14] =	ssyncset.done $0x0  }
0x7d: {  	[sflag:s14] =	ssyncadd.s32 $0xFFFFFF80  }
0x7e: {  	[spmem:s2] =	stream.indirect.scatter.add.f32 [tilespmem:s1], [sflag:$0xA], $0x80, s31, s29, $0xb8;
	[tilespmem:$0x1FF00] =	vst v63  }
0x7f: {  	s8 =	rddreg [dreg:$0x13]  }
0x80: {  	[tilespmem:s3], [sflag:$0x1] =	stream.linear.gather [hbm4b:s8+s3], $0x80, $0x38;
	[tilespmem:$0x1FF00] =	vst v63  }
0x81: {  	s28 =	simm.s32 $0x0;
	s8 =	rddreg [dreg:$0x12]  }
.LBB2_2:
0x82: {  	_ =	swait.ge [sflag:s15], $0x4000  }
0x83: {  	s5 =	sshrl.u32 s8, $0x3;
	[sflag:s15] =	ssyncset.done $0x0  }
0x84: {  	s5 =	sadd.s32 s20, s5;
	[sflag:s15] =	ssyncadd.s32 $0xFFFFC000  }
0x85: {  	[tilespmem:s31], [sflag:$0x4] =	stream.linear.gather [hbm4b:s5+s3], $0x80, $0x38;
	[tilespmem:$0x1FF00] =	vst v63  }
0x86: {  	_ =	swait.ge [sflag:s0], $0x80  }
0x87: {  	[sflag:s0] =	ssyncset.done $0x0  }
0x88: {  	[sflag:s0] =	ssyncadd.s32 $0xFFFFFF80  }
0x89: {  	[tilespmem:s1], [sflag:$0x7] =	stream.indirect.gather [hbm4b:s4+s29], $0x80, s3, s29, $0xb8;
	[tilespmem:$0x1FF00] =	vst v63  }
0x8a: {  	_ =	swait.ge [sflag:s16], $0x4000  }
0x8b: {  	[sflag:s16] =	ssyncset.done $0x0  }
0x8c: {  	[sflag:s16] =	ssyncadd.s32 $0xFFFFC000  }
0x8d: {  	_ =	swait.ge [sflag:s17], $0x80  }
0x8e: {  	[sflag:s17] =	ssyncset.done $0x0  }
0x8f: {  	[sflag:s17] =	ssyncadd.s32 $0xFFFFFF80  }
0x90: {  	[spmem:s2] =	stream.indirect.scatter.add.f32 [tilespmem:s9], [sflag:$0xB], $0x80, s6, s29, $0xb8;
	[tilespmem:$0x1FF00] =	vst v63  }
0x91: {  	s5 =	sadd.s32 s28, s23  }
0x92: {  	[tilespmem:s29], [sflag:$0x2] =	stream.linear.gather [hbm4b:s5+s3], $0x80, $0x38;
	[tilespmem:$0x1FF00] =	vst v63  }
0x93: {  	_ =	swait.ge [sflag:s18], $0x4000  }
0x94: {  	[sflag:s18] =	ssyncset.done $0x0  }
0x95: {  	s5 =	sadd.s32 s28, s24;
	[sflag:s18] =	ssyncadd.s32 $0xFFFFC000  }
0x96: {  	[tilespmem:s6], [sflag:$0x5] =	stream.linear.gather [hbm4b:s5+s3], $0x80, $0x38;
	[tilespmem:$0x1FF00] =	vst v63  }
0x97: {  	_ =	swait.ge [sflag:s7], $0x80  }
0x98: {  	[sflag:s7] =	ssyncset.done $0x0  }
0x99: {  	[sflag:s7] =	ssyncadd.s32 $0xFFFFFF80  }
0x9a: {  	[tilespmem:s9], [sflag:$0x8] =	stream.indirect.gather [hbm4b:s4+s29], $0x80, s29, s29, $0xb8;
	[tilespmem:$0x1FF00] =	vst v63  }
0x9b: {  	_ =	swait.ge [sflag:s19], $0x4000  }
0x9c: {  	[sflag:s19] =	ssyncset.done $0x0  }
0x9d: {  	[sflag:s19] =	ssyncadd.s32 $0xFFFFC000  }
0x9e: {  	_ =	swait.ge [sflag:s25], $0x80  }
0x9f: {  	[sflag:s25] =	ssyncset.done $0x0  }
0xa0: {  	[sflag:s25] =	ssyncadd.s32 $0xFFFFFF80  }
0xa1: {  	[spmem:s2] =	stream.indirect.scatter.add.f32 [tilespmem:s13], [sflag:$0xC], $0x80, s10, s29, $0xb8;
	[tilespmem:$0x1FF00] =	vst v63  }
0xa2: {  	s5 =	sadd.s32 s28, s22  }
0xa3: {  	[tilespmem:s30], [sflag:$0x3] =	stream.linear.gather [hbm4b:s5+s3], $0x80, $0x38;
	[tilespmem:$0x1FF00] =	vst v63  }
0xa4: {  	_ =	swait.ge [sflag:s26], $0x4000  }
0xa5: {  	[sflag:s26] =	ssyncset.done $0x0  }
0xa6: {  	s5 =	sadd.s32 s28, s21;
	[sflag:s26] =	ssyncadd.s32 $0xFFFFC000  }
0xa7: {  	[tilespmem:s10], [sflag:$0x6] =	stream.linear.gather [hbm4b:s5+s3], $0x80, $0x38;
	[tilespmem:$0x1FF00] =	vst v63  }
0xa8: {  	_ =	swait.ge [sflag:s12], $0x80  }
0xa9: {  	[sflag:s12] =	ssyncset.done $0x0  }
0xaa: {  	[sflag:s12] =	ssyncadd.s32 $0xFFFFFF80  }
0xab: {  	[tilespmem:s13], [sflag:$0x9] =	stream.indirect.gather [hbm4b:s4+s29], $0x80, s30, s29, $0xb8;
	[tilespmem:$0x1FF00] =	vst v63  }
0xac: {  	_ =	swait.ge [sflag:s11], $0x4000  }
0xad: {  	p1 =	seq.s32 s28, $0x4B0;
	[sflag:s11] =	ssyncset.done $0x0  }
.Ltmp2:
0xae: {  	[sflag:s11] =	ssyncadd.s32 $0xFFFFC000;
	(pc) =	sbr.rel @p1 .LBB2_4-.Ltmp2, $4  }
0xaf: {  	_ =	swait.ge [sflag:s14], $0x80  }
0xb0: {  	[sflag:s14] =	ssyncset.done $0x0  }
0xb1: {  	[sflag:s14] =	ssyncadd.s32 $0xFFFFFF80  }
0xb2: {  	[spmem:s2] =	stream.indirect.scatter.add.f32 [tilespmem:s1], [sflag:$0xA], $0x80, s31, s29, $0xb8;
	[tilespmem:$0x1FF00] =	vst v63  }
.Ltmp3:
0xb3: {  	(pc) =	sbr.rel .LBB2_2-.Ltmp3, $4  }
0xb4: {  	_ = 	snop  }
0xb5: {  	s5 =	rddreg [dreg:$0x11]  }
0xb6: {  	s8 =	sadd.s32 $0x180, s8;
	s5 =	sadd.s32 s28, s5;
	s28 =	sadd.s32 $0x30, s28  }
0xb7: {  	[tilespmem:s3], [sflag:$0x1] =	stream.linear.gather [hbm4b:s5+s3], $0x80, $0x38;
	[tilespmem:$0x1FF00] =	vst v63  }
.LBB2_5:
0xb8: {  	_ =	sfence.sel $0x180000  }
0xb9: {  	[bflag:$0x0] =	sbarrier.arrive $0xFFFF  }
0xba: {  	_ =	strace $0x9000004D  }
0xbb: {  	s0 =	stileid.u32;
	[bflag:$0x2] =	sbarrier.arrive $0xFFFF  }
0xbc: {  	p0 =	sne.s32 s0, $0x0;
	s0 =	rddreg [dreg:$0x2]  }
0xbd: {  	s0 =	sadd.s32 @!p0 $0x100000, s0  }
0xbe: {  	[sflag:s0] =	ssyncadd.tile.s32 @!p0 $0x1;
	_ =	shalt  }
.Lfunc_end2:
_tile_overlayer_lowered:
.L_overlay_start_2:
0xbf: {  	(tag) =	ssettag $0x2  }
0xc0: {  	s0 =	rddreg [dreg:$0x0];
	s2 =	stileid.u32  }
0xc1: {  	s1 =	rddreg [dreg:$0x1];
	p0 =	sne.s32 s2, $0x0  }
0xc2: {  	s3 =	rddreg [dreg:$0x2];
	[bflag:$0x3] =	sbarrier.arrive $0xFFFF;
	s2 =	simm.s32 @!p0 $0x1C0D  }
0xc3: {  	[timem:s3], [sflag:s2] =	dma.local @!p0 [hbm:s0], s1  }
0xc4: {  	s0 =	simm.s32 @!p0 $0xD  }
0xc5: {  	_ =	swait.ge @!p0 [sflag:s0], s1  }
0xc6: {  	s1 =	ssub.s32 @!p0 $0x0, s1;
	[sflag:s0] =	ssyncset.done @!p0 $0x0  }
0xc7: {  	[sflag:s0] =	ssyncadd.s32 @!p0 s1  }
0xc8: {  	[bflag:$0x3] =	sbarrier.arrive $0xFFFF  }
0xc9: {  	_ =	shalt  }

// kernel: kernel.9.cloned.1.call-start
scs
__scs_entry_jumppad:
0x0: {  	(pc) =	sbr.rel $0x88, $3  }
0x1: {  	(tag) =	ssettag $0x0;
	lr =	simm.s32 $0x1  }
0x2: {  	[smem:$0x3F9C] =	sst lr;
	_ =	strace $0xD0000000  }
0x3: {  	_ = 	snop  }
0x4: {  	_ = 	snop  }
0x5: {  	_ = 	snop  }
0x6: {  	_ = 	snop  }
0x7: {  	_ = 	snop  }
__scs_overlays_trampoline_lowered:
0x8: {  	[smem:$0x3FAB] =	sst s0  }
0x9: {  	[smem:$0x3FAC] =	sst s1  }
0xa: {  	[smem:$0x3FAD] =	sst s2  }
0xb: {  	[smem:$0x3FAE] =	sst s3  }
0xc: {  	[smem:$0x3FAF] =	sst s4  }
0xd: {  	[smem:$0x3FB0] =	sst s5  }
0xe: {  	[smem:$0x3FB1] =	sst s6  }
0xf: {  	[smem:$0x3FB2] =	sst s7  }
0x10: {  	[smem:$0x3FB3] =	sst s8  }
0x11: {  	[smem:$0x3FB4] =	sst s9;
	s0 =	simm.s32 @!p0 $0x0  }
0x12: {  	s1 =	sld [smem:$0x3F9A];
	s0 =	simm.s32 @p0 $0x1  }
0x13: {  	[smem:$0x3FB5] =	sst s0;
	s0 =	simm.s32 @!p1 $0x0  }
0x14: {  	s2 =	sld [smem:$0x3F99];
	s0 =	simm.s32 @p1 $0x1  }
0x15: {  	[smem:$0x3FB6] =	sst s0;
	s0 =	simm.s32 @!p2 $0x0  }
0x16: {  	s3 =	sld [smem:$0x3FDB];
	s0 =	simm.s32 @p2 $0x1  }
0x17: {  	s4 =	simm.s32 $0x1BF5;
	[smem:$0x3FB8] =	sst s0  }
0x18: {  	s0 =	sld [smem:$0x3F9B];
	_ =	swait.ge [sflag:s4], $0x0  }
0x19: {  	s7 =	sld [smem:$0x3F9C]  }
0x1a: {  	s8 =	sadd.s32 $0xFFFFE003, lr  }
0x1b: {  	s9 =	sadd.s32 $0xFFFFFEF7, lr;
	s5 =	simm.s32 $0xFFFFFFFF;
	p2 =	slt.u32 s8, $0xFFFFF086  }
0x1c: {  	p1 =	slt.u32 s9, $0xF7A;
	s5 =	simm.s32 @!p2 $0x0  }
0x1d: {  	s5 =	simm.s32 @p1 $0x1;
	p0 =	seq.s32 s7, s2  }
0x1e: {  	s7 =	smul.u32 @!p0 $0xF7A, s2;
	p2 =	seq.s32 @!p0 s5, $0x0  }
0x1f: {  	s9 =	smul.u32 $0xF7A, s1;
	s8 =	simm.s32 @!p0 $0x1BF5;
	p2 =	por !p2, p0  }
0x20: {  	[sflag:s8] =	ssyncset.s32 @!p0 $0xFFFFF086;
	s6 =	sadd.s32 @!p0 s3, s7;
	s7 =	simm.s32 @!p0 $0x108  }
0x21: {  	s3 =	sadd.s32 s3, s9;
	s6 =	sadd.s32 @!p0 $0x88, s6;
	s7 =	simm.s32 @p2 $0x1082  }
0x22: {  	[simem:s7], [sflag:s8] =	dma.local @!p0 [hbm:s6], $0xF7A  }
0x23: {  	s9 =	sor.u32 $0xD0000000, s2;
	s6 =	simm.s32 $0x108;
	_ =	swait.ge @!p0 [sflag:s8], $0x0  }
0x24: {  	s3 =	sadd.s32 $0x88, s3;
	s6 =	simm.s32 @!p1 $0x1082;
	[sflag:s4] =	ssyncset.s32 $0xFFFFF086  }
0x25: {  	[simem:s6], [sflag:s4] =	dma.local [hbm:s3], $0xF7A  }
0x26: {  	[smem:$0x3F9C] =	sst s1;
	(tag) =	ssettag s2;
	_ =	strace s9  }
0x27: {  	s1 =	sld [smem:$0x3FAC]  }
0x28: {  	s2 =	sld [smem:$0x3FAD]  }
0x29: {  	s4 =	sld [smem:$0x3FAF]  }
0x2a: {  	p0 =	seq.s32 s5, $0x0;
	s5 =	sld [smem:$0x3FB0]  }
0x2b: {  	s6 =	sld [smem:$0x3FB1]  }
0x2c: {  	s7 =	sld [smem:$0x3FB2]  }
0x2d: {  	s3 =	simm.s32 $0x108;
	s8 =	sld [smem:$0x3FB3]  }
0x2e: {  	s3 =	simm.s32 @!p0 $0x1082;
	s9 =	sld [smem:$0x3FB4]  }
0x2f: {  	lr =	sadd.s32 s0, s3;
	s0 =	sld [smem:$0x3FAB]  }
0x30: {  	s3 =	sld [smem:$0x3FAE]  }
0x31: {  	[smem:$0x3FB7] =	sst s10  }
0x32: {  	s10 =	sld [smem:$0x3FB5];
	_ =	sdelay $0x3  }
0x33: {  	p0 =	seq.s32 s10, $0x1;
	s10 =	sld [smem:$0x3FB7];
	_ =	sdelay $0x3  }
0x34: {  	[smem:$0x3FB7] =	sst s10  }
0x35: {  	s10 =	sld [smem:$0x3FB6];
	_ =	sdelay $0x3  }
0x36: {  	p1 =	seq.s32 s10, $0x1;
	s10 =	sld [smem:$0x3FB7];
	_ =	sdelay $0x3  }
0x37: {  	[smem:$0x3FB7] =	sst s10  }
0x38: {  	s10 =	sld [smem:$0x3FB8]  }
0x39: {  	_ = 	snop;
	(pc) =	sbr.ind lr, $3  }
0x3a: {  	_ = 	snop  }
0x3b: {  	_ = 	snop  }
0x3c: {  	p2 =	seq.s32 s10, $0x1;
	s10 =	sld [smem:$0x3FB7]  }
0x3d: {  	_ =	shalt  }
0x3e: {  	_ =	shalt  }
0x3f: {  	_ =	shalt  }
0x40: {  	_ =	shalt  }
0x41: {  	_ =	shalt  }
0x42: {  	_ =	shalt  }
0x43: {  	_ =	shalt  }
0x44: {  	_ =	shalt  }
0x45: {  	_ =	shalt  }
0x46: {  	_ =	shalt  }
0x47: {  	_ =	shalt  }
0x48: {  	_ =	shalt  }
0x49: {  	_ =	shalt  }
0x4a: {  	_ =	shalt  }
0x4b: {  	_ =	shalt  }
0x4c: {  	_ =	shalt  }
0x4d: {  	_ =	shalt  }
0x4e: {  	_ =	shalt  }
0x4f: {  	_ =	shalt  }
0x50: {  	_ =	shalt  }
0x51: {  	_ =	shalt  }
0x52: {  	_ =	shalt  }
0x53: {  	_ =	shalt  }
0x54: {  	_ =	shalt  }
0x55: {  	_ =	shalt  }
0x56: {  	_ =	shalt  }
0x57: {  	_ =	shalt  }
0x58: {  	_ =	shalt  }
0x59: {  	_ =	shalt  }
0x5a: {  	_ =	shalt  }
0x5b: {  	_ =	shalt  }
0x5c: {  	_ =	shalt  }
0x5d: {  	_ =	shalt  }
0x5e: {  	_ =	shalt  }
0x5f: {  	_ =	shalt  }
0x60: {  	_ =	shalt  }
0x61: {  	_ =	shalt  }
0x62: {  	_ =	shalt  }
0x63: {  	_ =	shalt  }
0x64: {  	_ =	shalt  }
0x65: {  	_ =	shalt  }
0x66: {  	_ =	shalt  }
0x67: {  	_ =	shalt  }
0x68: {  	_ =	shalt  }
0x69: {  	_ =	shalt  }
0x6a: {  	_ =	shalt  }
0x6b: {  	_ =	shalt  }
0x6c: {  	_ =	shalt  }
0x6d: {  	_ =	shalt  }
0x6e: {  	_ =	shalt  }
0x6f: {  	_ =	shalt  }
0x70: {  	_ =	shalt  }
0x71: {  	_ =	shalt  }
0x72: {  	_ =	shalt  }
0x73: {  	_ =	shalt  }
0x74: {  	_ =	shalt  }
0x75: {  	_ =	shalt  }
0x76: {  	_ =	shalt  }
0x77: {  	_ =	shalt  }
0x78: {  	_ =	shalt  }
0x79: {  	_ =	shalt  }
0x7a: {  	_ =	shalt  }
0x7b: {  	_ =	shalt  }
0x7c: {  	_ =	shalt  }
0x7d: {  	_ =	shalt  }
0x7e: {  	_ =	shalt  }
0x7f: {  	_ =	shalt  }
0x80: {  	_ =	shalt  }
0x81: {  	_ =	shalt  }
0x82: {  	_ =	shalt  }
0x83: {  	_ =	shalt  }
0x84: {  	_ =	shalt  }
0x85: {  	_ =	shalt  }
0x86: {  	_ =	shalt  }
0x87: {  	_ =	shalt  }
.Lfunc_end0:
.L_simem_size_0:
called_computation_lowered:
.L_overlay_start_0:
0x88: {  	s2 =	sld [smem:$0x3FD9]  }
0x89: {  	s3 =	sld [smem:$0x3FFE];
	_ =	sdelay $0x1  }
0x8a: {  	s1 =	srdreg.scid  }
0x8b: {  	s0 =	sand.u32 $0x1, s1  }
0x8c: {  	s16 =	sshll.u32 s0, $0xA;
	s2 =	sadd.s32 s3, s2  }
0x8d: {  	s2 =	sadd.s32 s2, s16  }
0x8e: {  	[smem:$0x3FC3] =	sst s2  }
0x8f: {  	_ = 	snop  }
0x90: {  	(tm) =	ssettm $0x1  }
0x91: {  	s17 =	sld [smem:$0x3FFB];
	_ =	sdelay $0x3  }
0x92: {  	_ =	strace s17  }
0x93: {  	s2 =	sld [smem:$0x3FFC];
	_ =	sdelay $0x3  }
0x94: {  	_ =	strace s2  }
0x95: {  	s2 =	sld [smem:$0x3FFD];
	_ =	sdelay $0x3  }
0x96: {  	_ =	strace s2  }
0x97: {  	_ =	strace $0x8FFFFFFF  }
0x98: {  	s18 =	sld [smem:$0x3FDB];
	_ =	sdelay $0x1  }
0x99: {  	s19 =	simm.s32 $_scs_section_size  }
0x9a: {  	s4 =	simm.s32 $_size__tile_overlayer_lowered;
	s5 =	simm.s32 $_tile_overlayer_lowered  }
0x9b: {  	s22 =	simm.s32 $0x1BFF;
	s21 =	sshll.u32 s5, $0x1;
	s2 =	sadd.s32 s19, s18  }
0x9c: {  	s6 =	simm.s32 $0x0;
	s20 =	sshll.u32 s4, $0x1;
	s4 =	sadd.s32 s21, s2  }
0x9d: {  	[timem:s6], [sflag:s22] =	dma.local [hbm:s4], s20  }
0x9e: {  	_ =	swait.ge [sflag:s22], s20  }
0x9f: {  	s3 =	ssub.s32 $0x0, s20;
	[sflag:s22] =	ssyncset.done $0x0  }
0xa0: {  	[sflag:s22] =	ssyncadd.s32 s3;
	_ =	sdelay $0x1  }
0xa1: {  	s23 =	simm.s32 $0x1B8B  }
0xa2: {  	_ =	swait.ge [sflag:s23], $0x1  }
0xa3: {  	[sflag:s23] =	ssyncset.done $0x0  }
0xa4: {  	s25 =	simm.s32 $0x1B8E;
	s24 =	sld [smem:$0x3FFE];
	[sflag:s23] =	ssyncadd.s32 $0xFFFFFFFF  }
0xa5: {  	s26 =	simm.s32 $execute0_lowered;
	[smem:$0x3FD2] =	sst s25  }
0xa6: {  	s4 =	sshll.u32 s26, $0x1;
	_ =	strace $0x80000046;
	[dreg:$0x1] =	wrdreg $0xFFFFFFFF  }
0xa7: {  	s28 =	simm.s32 $_size_execute0_lowered;
	s2 =	sadd.s32 s2, s4;
	[dreg:$0x0] =	wrdreg $0x0  }
0xa8: {  	s4 =	sshll.u32 s28, $0x1;
	[dreg:$0x2] =	wrdreg s2  }
0xa9: {  	[dreg:$0x3] =	wrdreg s4  }
0xaa: {  	[dreg:$0x4] =	wrdreg $0xC0  }
0xab: {  	_ =	task [dreg:s6], $0x5FFFF  }
0xac: {  	[dreg:$0x1] =	wrdreg $0xFFFFFFFF  }
0xad: {  	[dreg:$0x0] =	wrdreg $0x60  }
0xae: {  	[dreg:$0x2] =	wrdreg s24  }
0xaf: {  	[dreg:$0x3] =	wrdreg $0x68000  }
0xb0: {  	[dreg:$0x4] =	wrdreg $0x9  }
0xb1: {  	_ =	task.clear_ibuf [dreg:s6], $0x5FFFF;
	_ =	strace $0x90000046  }
0xb2: {  	s29 =	simm.s32 $0x9;
	_ =	strace $0x80000048  }
0xb3: {  	_ =	swait.ge [sflag:s29], $0x1  }
0xb4: {  	[sflag:s29] =	ssyncadd.s32 $0xFFFFFFFF  }
0xb5: {  	_ =	strace $0x90000048  }
0xb6: {  	_ =	sfence  }
0xb7: {  	s30 =	sld [smem:$0x0];
	_ =	sdelay $0x2  }
0xb8: {  	s31 =	sshll.u32 s1, $0xD;
	s1 =	sshrl.u32 s1, $0x2  }
0xb9: {  	s3 =	sand.u32 $0x4000, s31;
	s1 =	sadd.s32 s1, s30  }
0xba: {  	s0 =	sor.u32 s3, s0;
	s1 =	sshll.u32 s1, $0x11  }
0xbb: {  	s0 =	sor.u32 s1, s0  }
0xbc: {  	s0 =	sadd.s32 $0x8F2B, s0  }
0xbd: {  	[sflag:s0] =	ssyncadd.remote.s32 $0x1  }
0xbe: {  	_ =	sfence.sel $0xFFFF  }
0xbf: {  	[dreg:$0x0] =	wrdreg $0xFFFFFFFF;
	(pc) =	sbr.abs _section_cstart, $3  }
0xc0: {  	[dreg:$0x1] =	wrdreg $0xFFFFFFFF  }
0xc1: {  	_ =	task.clear_ibuf [dreg:s6], $0x2FFFF;
	_ =	strace $0x9FFFFFFF  }
0xc2: {  	(tm) =	ssettm $0x7FFFFFFF  }
0xc3: {  	_ =	shalt  }
tec
execute0_lowered:
.L_overlay_start_1:
0x0: {  	(tag) =	ssettag $0x1  }
0x1: {  	s0 =	srdreg.scid;
	s7 =	rddreg [dreg:$0x0]  }
0x2: {  	s2 =	rddreg [dreg:$0x1];
	s3 =	simm.s32 $0x0;
	s16 =	simm.s32 $0x80  }
0x3: {  	s17 =	simm.s32 $0x1;
	s18 =	simm.s32 $0x2;
	s19 =	simm.s32 $0x0  }
0x4: {  	s5 =	sand.u32 $0x1, s0;
	s0 =	stileid.u32;
	[smem:$0x7FF] =	sst s3  }
0x5: {  	s13 =	sadd.s32 $0x33A00, s7;
	s15 =	sadd.s32 $0x138000, s2;
	s8 =	smul.u32 $0x13800, s0  }
0x6: {  	s1 =	sshll.u32 s5, $0x4;
	s6 =	ssub.s32 $0x2, s5;
	s10 =	smul.u32 $0x4E000, s0  }
0x7: {  	s28 =	sshll.u32 s0, $0x6;
	s29 =	smul.u32 $0x138800, s5;
	p0 =	sne.s32 s0, $0xF  }
0x8: {  	s4 =	sor.u32 s0, s1;
	s1 =	rddreg [dreg:$0x2];
	_ =	strace $0x80000047  }
0x9: {  	s12 =	sshrl.u32 s6, $0x1;
	s4 =	smul.u32 $0x500, s4;
	s25 =	sshrl.u32 s8, $0x3  }
0xa: {  	s12 =	ssub.s32 s6, s12;
	s26 =	sshrl.u32 s10, $0x2;
	s6 =	sor.u32 $0x1C03, s28  }
0xb: {  	s30 =	sadd.s32 s8, s29;
	s10 =	sshrl.u32 s29, $0x3;
	s11 =	sadd.s32 s25, s7  }
0xc: {  	s14 =	sadd.s32 s26, s2;
	s31 =	sshrl.u32 s30, $0x3;
	s10 =	sadd.s32 s13, s10  }
0xd: {  	s9 =	sadd.s32 s4, s7;
	s4 =	sadd.s32 $0x33200, s7;
	s5 =	sadd.s32 $0xC000, s11  }
0xe: {  	s7 =	sadd.s32 $0x33000, s7;
	s10 =	sadd.s32 $0x27000, s10;
	s11 =	smax.u32 s12, $0x1  }
0xf: {  	s12 =	sshrl.u32 s14, $0x3;
	s14 =	sshrl.u32 @!p0 s15, $0x3;
	s15 =	simm.s32 $0x2800  }
0x10: {  	s8 =	sadd.s32 $0x2000, s9;
	s9 =	sadd.s32 s13, s31;
	s13 =	simm.s32 $0x3  }
.LBB2_1:
0x11: {  	[spmem:s12], [sflag:s6] =	dma.local [hbm:s5], $0x2700  }
0x12: {  	_ =	swait.ge [sflag:s13], $0x2700  }
0x13: {  	[sflag:s13] =	ssyncset.done $0x0  }
0x14: {  	s20 =	simm.s32 @!p0 $0x3;
	[sflag:s13] =	ssyncadd.s32 $0xFFFFD900  }
0x15: {  	[spmem:s14], [sflag:s6] =	dma.local @!p0 [hbm:s7], $0x100  }
0x16: {  	_ =	swait.ge @!p0 [sflag:s20], $0x100  }
0x17: {  	[sflag:s20] =	ssyncset.done @!p0 $0x0  }
0x18: {  	[sflag:s20] =	ssyncadd.s32 @!p0 $0xFFFFFF00  }
0x19: {  	[tilespmem:s15], [sflag:$0x3] =	stream.linear.gather [hbm4b:s4+s3], $0x4000, $0x38;
	[tilespmem:$0x1A400] =	vst v63  }
0x1a: {  	_ =	swait.ge [sflag:s13], $0x4000  }
0x1b: {  	[sflag:s13] =	ssyncset.done $0x0  }
0x1c: {  	[sflag:s13] =	ssyncadd.s32 $0xFFFFC000  }
0x1d: {  	[tilespmem:s3], [sflag:$0x3] =	stream.linear.gather [hbm4b:s8+s3], $0x2800, $0x38;
	[tilespmem:$0x1A400] =	vst v63  }
0x1e: {  	_ =	swait.ge [sflag:s13], $0x2800  }
0x1f: {  	[sflag:s13] =	ssyncset.done $0x0  }
0x20: {  	[sflag:s13] =	ssyncadd.s32 $0xFFFFD800  }
0x21: {  	[bflag:$0x0] =	sbarrier.arrive $0xFFFF  }
0x22: {  	[spmem:s2] =	stream.indirect.scatter.add.f32 [tilespmem:s15], [sflag:$0x1], $0x80, s3, s16, $0xb8;
	[tilespmem:$0x1A400] =	vst v63  }
0x23: {  	_ = 	snop  }
0x24: {  	[spmem:s2] =	stream.indirect.scatter.add.f32 [tilespmem:s15], [sflag:$0x2], $0x80, s16, s16, $0xb8;
	[tilespmem:$0x1A400] =	vst v63  }
0x25: {  	_ =	swait.ge [sflag:s17], $0x4000  }
0x26: {  	[sflag:s17] =	ssyncset.done $0x0  }
0x27: {  	s31 =	simm.s32 $0x100;
	[sflag:s17] =	ssyncadd.s32 $0xFFFFC000  }
0x28: {  	[spmem:s2] =	stream.indirect.scatter.add.f32 [tilespmem:s15], [sflag:$0x1], $0x80, s31, s16, $0xb8;
	[tilespmem:$0x1A400] =	vst v63  }
0x29: {  	_ =	swait.ge [sflag:s18], $0x4000  }
0x2a: {  	[sflag:s18] =	ssyncset.done $0x0  }
0x2b: {  	s21 =	simm.s32 $0x180;
	s20 =	simm.s32 $0xFFFF6800;
	[sflag:s18] =	ssyncadd.s32 $0xFFFFC000  }
.LBB2_2:
0x2c: {  	[spmem:s2] =	stream.indirect.scatter.add.f32 [tilespmem:s15], [sflag:$0x2], $0x80, s21, s16, $0xb8;
	[tilespmem:$0x1A400] =	vst v63  }
0x2d: {  	s21 =	smov.u32 s20  }
0x2e: {  	p1 =	sne.s32 s20, $0xFFFFFC00;
	s20 =	sadd.s32 $0x400, s20;
	_ =	swait.ge [sflag:s17], $0x4000  }
0x2f: {  	s21 =	sshra.s32 s21, $0x2;
	[sflag:s17] =	ssyncset.done $0x0  }
.Ltmp0:
0x30: {  	s22 =	sadd.s32 $0x2800, s21;
	[sflag:s17] =	ssyncadd.s32 $0xFFFFC000;
	(pc) =	sbr.rel @p1 .LBB2_2-.Ltmp0, $4  }
0x31: {  	[spmem:s2] =	stream.indirect.scatter.add.f32 [tilespmem:s15], [sflag:$0x1], $0x80, s22, s16, $0xb8;
	[tilespmem:$0x1A400] =	vst v63  }
0x32: {  	_ =	swait.ge [sflag:s18], $0x4000  }
0x33: {  	[sflag:s18] =	ssyncset.done $0x0  }
0x34: {  	s21 =	sadd.s32 $0x2880, s21;
	[sflag:s18] =	ssyncadd.s32 $0xFFFFC000  }
0x35: {  	[spmem:s2] =	stream.indirect.scatter.add.f32 [tilespmem:s15], [sflag:$0x2], $0x80, s21, s16, $0xb8;
	[tilespmem:$0x1A400] =	vst v63  }
0x36: {  	_ =	swait.ge [sflag:s17], $0x4000  }
0x37: {  	[sflag:s17] =	ssyncset.done $0x0  }
0x38: {  	[sflag:s17] =	ssyncadd.s32 $0xFFFFC000  }
0x39: {  	_ =	swait.ge [sflag:s18], $0x4000  }
0x3a: {  	[sflag:s18] =	ssyncset.done $0x0  }
0x3b: {  	[sflag:s18] =	ssyncadd.s32 $0xFFFFC000  }
0x3c: {  	[bflag:$0x0] =	sbarrier.arrive $0xFFFF  }
0x3d: {  	[hbm:s9], [sflag:s6] =	dma.local [spmem:s12], $0x2700  }
0x3e: {  	s19 =	sadd.s32 $0x1, s19;
	_ =	swait.ge [sflag:s13], $0x2700  }
0x3f: {  	p1 =	sne.s32 s19, s11;
	[sflag:s13] =	ssyncset.done $0x0  }
.Ltmp1:
0x40: {  	s20 =	simm.s32 @!p0 $0x3;
	[sflag:s13] =	ssyncadd.s32 $0xFFFFD900;
	(pc) =	sbr.rel @p1 .LBB2_1-.Ltmp1, $4  }
0x41: {  	[hbm:s10], [sflag:s6] =	dma.local @!p0 [spmem:s14], $0x100  }
0x42: {  	_ =	swait.ge @!p0 [sflag:s20], $0x100  }
0x43: {  	[sflag:s20] =	ssyncset.done @!p0 $0x0  }
0x44: {  	[sflag:s20] =	ssyncadd.s32 @!p0 $0xFFFFFF00  }
0x45: {  	_ =	sfence.sel $0x180000  }
0x46: {  	[bflag:$0x0] =	sbarrier.arrive $0xFFFF  }
0x47: {  	p0 =	sne.s32 s0, $0x0;
	_ =	strace $0x90000047  }
0x48: {  	s0 =	sadd.s32 @!p0 $0x100000, s1;
	[bflag:$0x2] =	sbarrier.arrive $0xFFFF  }
0x49: {  	[sflag:s0] =	ssyncadd.tile.s32 @!p0 $0x1;
	_ =	shalt  }
.Lfunc_end2:
_tile_overlayer_lowered:
.L_overlay_start_2:
0x4a: {  	(tag) =	ssettag $0x2  }
0x4b: {  	s0 =	rddreg [dreg:$0x0];
	s2 =	stileid.u32  }
0x4c: {  	s1 =	rddreg [dreg:$0x1];
	p0 =	sne.s32 s2, $0x0  }
0x4d: {  	s3 =	rddreg [dreg:$0x2];
	[bflag:$0x3] =	sbarrier.arrive $0xFFFF;
	s2 =	simm.s32 @!p0 $0x1C03  }
0x4e: {  	[timem:s3], [sflag:s2] =	dma.local @!p0 [hbm:s0], s1  }
0x4f: {  	s0 =	simm.s32 @!p0 $0x3  }
0x50: {  	_ =	swait.ge @!p0 [sflag:s0], s1  }
0x51: {  	s1 =	ssub.s32 @!p0 $0x0, s1;
	[sflag:s0] =	ssyncset.done @!p0 $0x0  }
0x52: {  	[sflag:s0] =	ssyncadd.s32 @!p0 s1  }
0x53: {  	[bflag:$0x3] =	sbarrier.arrive $0xFFFF  }
0x54: {  	_ =	shalt  }

</sc_bundles>
